<compile_context>
chip_gen: v7x
topology: tpu7x:2x2x1
jax: 0.10.2.dev20260603
libtpu: 0.0.44.dev20260713+nightly
codegen_flags: <defaults>
</compile_context>

<pallas_src>
import numpy as np
import jax
import jax.numpy as jnp
from jax import lax
from jax.experimental import pallas as pl
from jax.experimental.pallas import tpu as pltpu
from jax.experimental.pallas import tpu_sc as plsc
import functools

_NS = 32
_NQ_PER_W = 128
_N = 16384
_B = 4
_S = 1024
_INF = float("inf")
_BIGI = 2 ** 30


def _sq_threshold() -> float:
    c = np.float32(0.04)
    x = np.float32(0.0016)
    while np.sqrt(x) >= c:
        x = np.nextafter(x, np.float32(0), dtype=np.float32)
    while np.sqrt(x) < c:
        x = np.nextafter(x, np.float32(1), dtype=np.float32)
    return float(x)


_T = _sq_threshold()


def _take(x, idx):
    return jnp.take_along_axis(x, idx, axis=0)


def _bf16_round(v):
    u = plsc.bitcast(v, jnp.uint32)
    r = (u + jnp.uint32(0x7FFF) + ((u >> jnp.uint32(16)) & jnp.uint32(1)))
    r = r & jnp.uint32(0xFFFF0000)
    return plsc.bitcast(r, jnp.float32)


def _worker(wid, xT_hbm, qT_hbm, out_hbm, xs, ys, zs, qx, qy, qz, outv,
            cs2, cix, xn2, n, s, nq):
    b = wid // 8
    slot = wid % 8
    xbase = b * (3 * n)
    pltpu.sync_copy(xT_hbm.at[pl.ds(xbase, n)], xs)
    pltpu.sync_copy(xT_hbm.at[pl.ds(xbase + n, n)], ys)
    pltpu.sync_copy(xT_hbm.at[pl.ds(xbase + 2 * n, n)], zs)
    qbase = b * (3 * s) + slot * nq
    pltpu.sync_copy(qT_hbm.at[pl.ds(qbase, nq)], qx.at[pl.ds(0, nq)])
    pltpu.sync_copy(qT_hbm.at[pl.ds(qbase + s, nq)], qy.at[pl.ds(0, nq)])
    pltpu.sync_copy(qT_hbm.at[pl.ds(qbase + 2 * s, nq)], qz.at[pl.ds(0, nq)])

    iota16 = lax.broadcasted_iota(jnp.int32, (16,), 0)
    inf16 = jnp.full((16,), _INF, jnp.float32)
    zero16 = jnp.zeros((16,), jnp.int32)
    t = jnp.float32(_T)

    def prep(c, _):
        off = c * 16
        xv = xs[pl.ds(off, 16)]
        yv = ys[pl.ds(off, 16)]
        zv = zs[pl.ds(off, 16)]
        xn2[pl.ds(off, 16)] = (xv * xv + yv * yv) + zv * zv
        xs[pl.ds(off, 16)] = _bf16_round(xv)
        ys[pl.ds(off, 16)] = _bf16_round(yv)
        zs[pl.ds(off, 16)] = _bf16_round(zv)
        return 0

    lax.fori_loop(0, n // 16, prep, 0)

    def per_query(i, _):
        qxs = jnp.full((16,), qx[pl.ds(i, 16)][0], jnp.float32)
        qys = jnp.full((16,), qy[pl.ds(i, 16)][0], jnp.float32)
        qzs = jnp.full((16,), qz[pl.ds(i, 16)][0], jnp.float32)
        qns = (qxs * qxs + qys * qys) + qzs * qzs
        qbx = _bf16_round(qxs)
        qby = _bf16_round(qys)
        qbz = _bf16_round(qzs)

        def dist_chunk(off):
            xv = xs[pl.ds(off, 16)]
            yv = ys[pl.ds(off, 16)]
            zv = zs[pl.ds(off, 16)]
            xnv = xn2[pl.ds(off, 16)]
            dot = (xv * qbx + yv * qby) + zv * qbz
            d2 = (qns + xnv) - jnp.float32(2.0) * dot
            return jnp.maximum(d2, jnp.float32(0.0))

        def group(g, carry):
            runmin, runidx, cnt = carry
            base = g * 128
            gm = inf16
            for u in range(8):
                off = base + u * 16
                s2 = dist_chunk(off)
                idxv = jnp.full((16,), off, jnp.int32) + iota16
                mlt = s2 < runmin
                runidx = jnp.where(mlt, idxv, runidx)
                runmin = jnp.where(mlt, s2, runmin)
                gm = jnp.minimum(gm, s2)
            anyhit = plsc.all_reduce_population_count(gm < t)[0] > 0

            def slow(c):
                def sbody(u, c2):
                    off = base + u * 16
                    s2 = dist_chunk(off)
                    idxv = jnp.full((16,), off, jnp.int32) + iota16
                    hit = s2 < t
                    plsc.store_compressed(cs2.at[pl.ds(c2, 16)], s2,
                                          mask=hit)
                    plsc.store_compressed(cix.at[pl.ds(c2, 16)], idxv,
                                          mask=hit)
                    pc = plsc.all_reduce_population_count(hit)[0]
                    return c2 + pc

                return lax.fori_loop(0, 8, sbody, c)

            cnt = lax.cond(anyhit, slow, lambda c: c, cnt)
            return runmin, runidx, cnt

        runmin, runidx, cnt = lax.fori_loop(
            0, n // 128, group, (inf16, zero16, jnp.int32(0)))

        bm, bi = runmin, runidx
        for sh in (8, 4, 2, 1):
            perm = jnp.bitwise_xor(iota16, sh)
            om = _take(bm, perm)
            oi = _take(bi, perm)
            less = jnp.logical_or(
                om < bm, jnp.logical_and(om == bm, oi < bi))
            bm = jnp.where(less, om, bm)
            bi = jnp.where(less, oi, bi)

        outv[pl.ds(i * _NS, 16)] = bi
        outv[pl.ds(i * _NS + 16, 16)] = bi

        nblk = (cnt + 15) // 16

        def rank_blk(jb, _2):
            ks = cs2[pl.ds(jb * 16, 16)]
            vs = cix[pl.ds(jb * 16, 16)]
            validj = (jnp.full((16,), jb * 16, jnp.int32) + iota16) < cnt
            ks = jnp.where(validj, ks, _INF)

            def src_blk(kb, rank):
                ks2 = cs2[pl.ds(kb * 16, 16)]
                vs2 = cix[pl.ds(kb * 16, 16)]
                validk = (jnp.full((16,), kb * 16, jnp.int32) + iota16) < cnt
                ks2 = jnp.where(validk, ks2, _INF)

                def lane(l, rank):
                    ls = jnp.full((16,), 0, jnp.int32) + l
                    bk = _take(ks2, ls)
                    bv = _take(vs2, ls)
                    less = jnp.logical_or(
                        bk < ks, jnp.logical_and(bk == ks, bv < vs))
                    return rank + jnp.where(less, 1, 0)

                return lax.fori_loop(0, 16, lane, rank)

            rank = lax.fori_loop(0, nblk, src_blk, zero16)
            okm = jnp.logical_and(validj, rank < _NS)
            rank = jnp.minimum(rank, _NS - 1)
            plsc.store_scatter(outv.at[pl.ds(i * _NS, _NS)], [rank], vs,
                               mask=okm)
            return 0

        lax.fori_loop(0, nblk, rank_blk, 0)
        return 0

    lax.fori_loop(0, nq, per_query, 0)
    pltpu.sync_copy(
        outv, out_hbm.at[pl.ds((b * s + slot * nq) * _NS, nq * _NS)])


def _make_sc_kernel():
    mesh = plsc.VectorSubcoreMesh(core_axis_name="c", subcore_axis_name="s")

    @functools.partial(
        pl.kernel,
        mesh=mesh,
        compiler_params=pltpu.CompilerParams(needs_layout_passes=False),
        out_type=jax.ShapeDtypeStruct((_B * _S * _NS,), jnp.int32),
        scratch_types=[
            pltpu.VMEM((_N,), jnp.float32),
            pltpu.VMEM((_N,), jnp.float32),
            pltpu.VMEM((_N,), jnp.float32),
            pltpu.VMEM((_NQ_PER_W + 16,), jnp.float32),
            pltpu.VMEM((_NQ_PER_W + 16,), jnp.float32),
            pltpu.VMEM((_NQ_PER_W + 16,), jnp.float32),
            pltpu.VMEM((_NQ_PER_W * _NS,), jnp.int32),
            pltpu.VMEM((_N + 16,), jnp.float32),
            pltpu.VMEM((_N + 16,), jnp.int32),
            pltpu.VMEM((_N,), jnp.float32),
        ],
    )
    def ball_query_sc(xT_hbm, qT_hbm, out_hbm, xs, ys, zs, qx, qy, qz, outv,
                      cs2, cix, xn2):
        cid = lax.axis_index("c")
        sid = lax.axis_index("s")
        wid = sid * 2 + cid
        _worker(wid, xT_hbm, qT_hbm, out_hbm, xs, ys, zs, qx, qy, qz, outv,
                cs2, cix, xn2, _N, _S, _NQ_PER_W)

    return ball_query_sc


_SC_KERNEL = _make_sc_kernel()


def kernel(xyz, new_xyz):
    B, N, _ = xyz.shape
    S = new_xyz.shape[1]
    xT = jnp.swapaxes(xyz, 1, 2).reshape(-1)
    qT = jnp.swapaxes(new_xyz, 1, 2).reshape(-1)
    out = _SC_KERNEL(xT, qT)
    return out.reshape(B, S, _NS)

# --- scband reference (transcript-rebuilt; emitter-appended) ---
"""Pipeline reference for scband-ball-query-9698036154798 (READ-ONLY COPY).

The authoritative reference and input builder live on the scoring server;
editing this copy changes nothing except your own understanding.
"""

import jax, jax.numpy as jnp
import numpy as np

RADIUS = 0.2
NSAMPLE = 32

def setup_inputs(seed: int = 0) -> dict:
    key = jax.random.key(seed)
    k1, k2 = jax.random.split(key)
    xyz = jax.random.uniform(k1, (4, 16384, 3), dtype=jnp.float32)
    new_xyz = jax.random.uniform(k2, (4, 1024, 3), dtype=jnp.float32)
    return {"xyz": xyz, "new_xyz": new_xyz}

def reference(xyz, new_xyz):
    # torch.cdist equivalent: euclidean distance [B, S, N]
    d2 = (jnp.sum(new_xyz ** 2, axis=-1)[:, :, None]
          + jnp.sum(xyz ** 2, axis=-1)[:, None, :]
          - 2.0 * jnp.einsum('bsc,bnc->bsn', new_xyz, xyz))
    sqrdists = jnp.sqrt(jnp.maximum(d2, 0.0))
    # topk of -dists => nsample nearest neighbors
    _, group_idx = jax.lax.top_k(-sqrdists, NSAMPLE)
    gathered = jnp.take_along_axis(sqrdists, group_idx, axis=-1)
    # NOTE: original code compares distance (not squared) against radius**2 -- kept faithful
    mask = gathered < RADIUS ** 2
    first = jnp.broadcast_to(group_idx[:, :, 0:1], group_idx.shape)
    group_idx = jnp.where(mask, group_idx, first)
    return group_idx

if __name__ == "__main__":
    import jax
    _d = setup_inputs()
    print(jax.jit(kernel)(*tuple(_d.values())))

</pallas_src>

<mosaic_0001>
#map = affine_map<(d0, d1) -> (0)>
module attributes {stable_mosaic.version = 14 : i64} {
  func.func @ball_query_sc(%arg0: i32, %arg1: i32, %arg2: memref<196608xf32, #tpu.memory_space<hbm>>, %arg3: memref<12288xf32, #tpu.memory_space<hbm>>, %arg4: memref<131072xi32, #tpu.memory_space<hbm>>, %arg5: memref<16384xf32, #tpu.memory_space<vmem>>, %arg6: memref<16384xf32, #tpu.memory_space<vmem>>, %arg7: memref<16384xf32, #tpu.memory_space<vmem>>, %arg8: memref<144xf32, #tpu.memory_space<vmem>>, %arg9: memref<144xf32, #tpu.memory_space<vmem>>, %arg10: memref<144xf32, #tpu.memory_space<vmem>>, %arg11: memref<4096xi32, #tpu.memory_space<vmem>>, %arg12: memref<16400xf32, #tpu.memory_space<vmem>>, %arg13: memref<16400xi32, #tpu.memory_space<vmem>>, %arg14: memref<16384xf32, #tpu.memory_space<vmem>>) attributes {dimension_semantics = [#tpu.dimension_semantics<core_parallel>, #tpu.dimension_semantics<subcore_parallel>], iteration_bounds = array<i64: 2, 16>, scalar_prefetch = 0 : i64, scratch_operands = 10 : i64, tpu.core_type = #tpu.core_type<sc_vector_subcore>, window_params = [{transform_indices = #map}, {transform_indices = #map}, {transform_indices = #map}]} {
    %mul3A = arith.constant 2 : i32
    %mul3A_0 = arith.muli %arg1, %mul3A : i32
    %add3A = arith.addi %mul3A_0, %arg0 : i32
    %jit3A = arith.constant 8 : i32
    %div3A = arith.divsi %add3A, %jit3A : i32
    %sign3A = arith.constant 0 : i32
    %sign3A_1 = arith.cmpi sgt, %add3A, %sign3A : i32
    %sign3A_2 = arith.extui %sign3A_1 : i1 to i32
    %sign3A_3 = arith.constant 0 : i32
    %sign3A_4 = arith.cmpi slt, %add3A, %sign3A_3 : i32
    %sign3A_5 = arith.extui %sign3A_4 : i1 to i32
    %sign3A_6 = arith.subi %sign3A_2, %sign3A_5 : i32
    %sign3A_7 = arith.constant 0 : i32
    %sign3A_8 = arith.cmpi sgt, %jit3A, %sign3A_7 : i32
    %sign3A_9 = arith.extui %sign3A_8 : i1 to i32
    %sign3A_10 = arith.constant 0 : i32
    %sign3A_11 = arith.cmpi slt, %jit3A, %sign3A_10 : i32
    %sign3A_12 = arith.extui %sign3A_11 : i1 to i32
    %sign3A_13 = arith.subi %sign3A_9, %sign3A_12 : i32
    %ne3A = arith.cmpi ne, %sign3A_6, %sign3A_13 : i32
    %rem3A = arith.remsi %add3A, %jit3A : i32
    %ne3A_14 = arith.constant 0 : i32
    %ne3A_15 = arith.cmpi ne, %rem3A, %ne3A_14 : i32
    %and3A = arith.andi %ne3A, %ne3A_15 : i1
    %sub3A = arith.constant 1 : i32
    %sub3A_16 = arith.subi %div3A, %sub3A : i32
    %select_n3A = arith.select %and3A, %sub3A_16, %div3A : i32
    %jit3A_17 = arith.constant 8 : i32
    %eq3A = arith.constant 0 : i32
    %eq3A_18 = arith.cmpi eq, %jit3A_17, %eq3A : i32
    %jit3A_19 = arith.constant 1 : i32
    %select_n3A_20 = arith.select %eq3A_18, %jit3A_19, %jit3A_17 : i32
    %rem3A_21 = arith.remsi %add3A, %select_n3A_20 : i32
    %ne3A_22 = arith.constant 0 : i32
    %ne3A_23 = arith.cmpi ne, %rem3A_21, %ne3A_22 : i32
    %lt3A = arith.constant 0 : i32
    %lt3A_24 = arith.cmpi slt, %rem3A_21, %lt3A : i32
    %lt3A_25 = arith.constant 0 : i32
    %lt3A_26 = arith.cmpi slt, %select_n3A_20, %lt3A_25 : i32
    %ne3A_27 = arith.xori %lt3A_24, %lt3A_26 : i1
    %and3A_28 = arith.andi %ne3A_27, %ne3A_23 : i1
    %add3A_29 = arith.addi %rem3A_21, %select_n3A_20 : i32
    %select_n3A_30 = arith.select %and3A_28, %add3A_29, %rem3A_21 : i32
    %mul3A_31 = arith.constant 49152 : i32
    %mul3A_32 = arith.muli %select_n3A, %mul3A_31 : i32
    "tpu.region"() ({
      %run_scoped3A = tpu.sem_alloc : memref<!tpu.dma_semaphore, #tpu.memory_space<semaphore_mem>>
      %dma_start3A = tpu.memref_slice %arg2[%mul3A_32] : memref<196608xf32, #tpu.memory_space<hbm>> -> memref<16384xf32, #tpu.memory_space<hbm>>
      %dma_start3A_70 = tpu.memref_slice %arg2[%mul3A_32] : memref<196608xf32, #tpu.memory_space<hbm>> -> memref<16384xf32, #tpu.memory_space<hbm>>
      tpu.enqueue_dma source(%dma_start3A_70 : memref<16384xf32, #tpu.memory_space<hbm>>) target(%arg5 : memref<16384xf32, #tpu.memory_space<vmem>>) target_semaphore(%run_scoped3A : memref<!tpu.dma_semaphore, #tpu.memory_space<semaphore_mem>>)
      %dma_wait3A = tpu.memref_slice %arg2[%mul3A_32] : memref<196608xf32, #tpu.memory_space<hbm>> -> memref<16384xf32, #tpu.memory_space<hbm>>
      %dma_wait3A_71 = tpu.memref_slice %arg2[%mul3A_32] : memref<196608xf32, #tpu.memory_space<hbm>> -> memref<16384xf32, #tpu.memory_space<hbm>>
      tpu.wait_dma2 semaphore(%run_scoped3A : memref<!tpu.dma_semaphore, #tpu.memory_space<semaphore_mem>>) src(%dma_wait3A_71 : memref<16384xf32, #tpu.memory_space<hbm>>) dst(%arg5 : memref<16384xf32, #tpu.memory_space<vmem>>)
      tpu.yield
    }) : () -> ()
    %add3A_33 = arith.constant 16384 : i32
    %add3A_34 = arith.addi %mul3A_32, %add3A_33 : i32
    "tpu.region"() ({
      %run_scoped3A = tpu.sem_alloc : memref<!tpu.dma_semaphore, #tpu.memory_space<semaphore_mem>>
      %dma_start3A = tpu.memref_slice %arg2[%add3A_34] : memref<196608xf32, #tpu.memory_space<hbm>> -> memref<16384xf32, #tpu.memory_space<hbm>>
      %dma_start3A_70 = tpu.memref_slice %arg2[%add3A_34] : memref<196608xf32, #tpu.memory_space<hbm>> -> memref<16384xf32, #tpu.memory_space<hbm>>
      tpu.enqueue_dma source(%dma_start3A_70 : memref<16384xf32, #tpu.memory_space<hbm>>) target(%arg6 : memref<16384xf32, #tpu.memory_space<vmem>>) target_semaphore(%run_scoped3A : memref<!tpu.dma_semaphore, #tpu.memory_space<semaphore_mem>>)
      %dma_wait3A = tpu.memref_slice %arg2[%add3A_34] : memref<196608xf32, #tpu.memory_space<hbm>> -> memref<16384xf32, #tpu.memory_space<hbm>>
      %dma_wait3A_71 = tpu.memref_slice %arg2[%add3A_34] : memref<196608xf32, #tpu.memory_space<hbm>> -> memref<16384xf32, #tpu.memory_space<hbm>>
      tpu.wait_dma2 semaphore(%run_scoped3A : memref<!tpu.dma_semaphore, #tpu.memory_space<semaphore_mem>>) src(%dma_wait3A_71 : memref<16384xf32, #tpu.memory_space<hbm>>) dst(%arg6 : memref<16384xf32, #tpu.memory_space<vmem>>)
      tpu.yield
    }) : () -> ()
    %add3A_35 = arith.constant 32768 : i32
    %add3A_36 = arith.addi %mul3A_32, %add3A_35 : i32
    "tpu.region"() ({
      %run_scoped3A = tpu.sem_alloc : memref<!tpu.dma_semaphore, #tpu.memory_space<semaphore_mem>>
      %dma_start3A = tpu.memref_slice %arg2[%add3A_36] : memref<196608xf32, #tpu.memory_space<hbm>> -> memref<16384xf32, #tpu.memory_space<hbm>>
      %dma_start3A_70 = tpu.memref_slice %arg2[%add3A_36] : memref<196608xf32, #tpu.memory_space<hbm>> -> memref<16384xf32, #tpu.memory_space<hbm>>
      tpu.enqueue_dma source(%dma_start3A_70 : memref<16384xf32, #tpu.memory_space<hbm>>) target(%arg7 : memref<16384xf32, #tpu.memory_space<vmem>>) target_semaphore(%run_scoped3A : memref<!tpu.dma_semaphore, #tpu.memory_space<semaphore_mem>>)
      %dma_wait3A = tpu.memref_slice %arg2[%add3A_36] : memref<196608xf32, #tpu.memory_space<hbm>> -> memref<16384xf32, #tpu.memory_space<hbm>>
      %dma_wait3A_71 = tpu.memref_slice %arg2[%add3A_36] : memref<196608xf32, #tpu.memory_space<hbm>> -> memref<16384xf32, #tpu.memory_space<hbm>>
      tpu.wait_dma2 semaphore(%run_scoped3A : memref<!tpu.dma_semaphore, #tpu.memory_space<semaphore_mem>>) src(%dma_wait3A_71 : memref<16384xf32, #tpu.memory_space<hbm>>) dst(%arg7 : memref<16384xf32, #tpu.memory_space<vmem>>)
      tpu.yield
    }) : () -> ()
    %mul3A_37 = arith.constant 3072 : i32
    %mul3A_38 = arith.muli %select_n3A, %mul3A_37 : i32
    %mul3A_39 = arith.constant 128 : i32
    %mul3A_40 = arith.muli %select_n3A_30, %mul3A_39 : i32
    %add3A_41 = arith.addi %mul3A_38, %mul3A_40 : i32
    "tpu.region"() ({
      %run_scoped3A = tpu.sem_alloc : memref<!tpu.dma_semaphore, #tpu.memory_space<semaphore_mem>>
      %dma_start3A = arith.constant 0 : i32
      %dma_start3A_70 = tpu.memref_slice %arg8[%dma_start3A] : memref<144xf32, #tpu.memory_space<vmem>> -> memref<128xf32, #tpu.memory_space<vmem>>
      %dma_start3A_71 = tpu.memref_slice %arg3[%add3A_41] : memref<12288xf32, #tpu.memory_space<hbm>> -> memref<128xf32, #tpu.memory_space<hbm>>
      %dma_start3A_72 = arith.constant 0 : i32
      %dma_start3A_73 = tpu.memref_slice %arg8[%dma_start3A_72] : memref<144xf32, #tpu.memory_space<vmem>> -> memref<128xf32, #tpu.memory_space<vmem>>
      %dma_start3A_74 = tpu.memref_slice %arg3[%add3A_41] : memref<12288xf32, #tpu.memory_space<hbm>> -> memref<128xf32, #tpu.memory_space<hbm>>
      tpu.enqueue_dma source(%dma_start3A_74 : memref<128xf32, #tpu.memory_space<hbm>>) target(%dma_start3A_73 : memref<128xf32, #tpu.memory_space<vmem>>) target_semaphore(%run_scoped3A : memref<!tpu.dma_semaphore, #tpu.memory_space<semaphore_mem>>)
      %dma_wait3A = arith.constant 0 : i32
      %dma_wait3A_75 = tpu.memref_slice %arg8[%dma_wait3A] : memref<144xf32, #tpu.memory_space<vmem>> -> memref<128xf32, #tpu.memory_space<vmem>>
      %dma_wait3A_76 = tpu.memref_slice %arg3[%add3A_41] : memref<12288xf32, #tpu.memory_space<hbm>> -> memref<128xf32, #tpu.memory_space<hbm>>
      %dma_wait3A_77 = arith.constant 0 : i32
      %dma_wait3A_78 = tpu.memref_slice %arg8[%dma_wait3A_77] : memref<144xf32, #tpu.memory_space<vmem>> -> memref<128xf32, #tpu.memory_space<vmem>>
      %dma_wait3A_79 = tpu.memref_slice %arg3[%add3A_41] : memref<12288xf32, #tpu.memory_space<hbm>> -> memref<128xf32, #tpu.memory_space<hbm>>
      tpu.wait_dma2 semaphore(%run_scoped3A : memref<!tpu.dma_semaphore, #tpu.memory_space<semaphore_mem>>) src(%dma_wait3A_79 : memref<128xf32, #tpu.memory_space<hbm>>) dst(%dma_wait3A_78 : memref<128xf32, #tpu.memory_space<vmem>>)
      tpu.yield
    }) : () -> ()
    %add3A_42 = arith.constant 1024 : i32
    %add3A_43 = arith.addi %add3A_41, %add3A_42 : i32
    "tpu.region"() ({
      %run_scoped3A = tpu.sem_alloc : memref<!tpu.dma_semaphore, #tpu.memory_space<semaphore_mem>>
      %dma_start3A = arith.constant 0 : i32
      %dma_start3A_70 = tpu.memref_slice %arg9[%dma_start3A] : memref<144xf32, #tpu.memory_space<vmem>> -> memref<128xf32, #tpu.memory_space<vmem>>
      %dma_start3A_71 = tpu.memref_slice %arg3[%add3A_43] : memref<12288xf32, #tpu.memory_space<hbm>> -> memref<128xf32, #tpu.memory_space<hbm>>
      %dma_start3A_72 = arith.constant 0 : i32
      %dma_start3A_73 = tpu.memref_slice %arg9[%dma_start3A_72] : memref<144xf32, #tpu.memory_space<vmem>> -> memref<128xf32, #tpu.memory_space<vmem>>
      %dma_start3A_74 = tpu.memref_slice %arg3[%add3A_43] : memref<12288xf32, #tpu.memory_space<hbm>> -> memref<128xf32, #tpu.memory_space<hbm>>
      tpu.enqueue_dma source(%dma_start3A_74 : memref<128xf32, #tpu.memory_space<hbm>>) target(%dma_start3A_73 : memref<128xf32, #tpu.memory_space<vmem>>) target_semaphore(%run_scoped3A : memref<!tpu.dma_semaphore, #tpu.memory_space<semaphore_mem>>)
      %dma_wait3A = arith.constant 0 : i32
      %dma_wait3A_75 = tpu.memref_slice %arg9[%dma_wait3A] : memref<144xf32, #tpu.memory_space<vmem>> -> memref<128xf32, #tpu.memory_space<vmem>>
      %dma_wait3A_76 = tpu.memref_slice %arg3[%add3A_43] : memref<12288xf32, #tpu.memory_space<hbm>> -> memref<128xf32, #tpu.memory_space<hbm>>
      %dma_wait3A_77 = arith.constant 0 : i32
      %dma_wait3A_78 = tpu.memref_slice %arg9[%dma_wait3A_77] : memref<144xf32, #tpu.memory_space<vmem>> -> memref<128xf32, #tpu.memory_space<vmem>>
      %dma_wait3A_79 = tpu.memref_slice %arg3[%add3A_43] : memref<12288xf32, #tpu.memory_space<hbm>> -> memref<128xf32, #tpu.memory_space<hbm>>
      tpu.wait_dma2 semaphore(%run_scoped3A : memref<!tpu.dma_semaphore, #tpu.memory_space<semaphore_mem>>) src(%dma_wait3A_79 : memref<128xf32, #tpu.memory_space<hbm>>) dst(%dma_wait3A_78 : memref<128xf32, #tpu.memory_space<vmem>>)
      tpu.yield
    }) : () -> ()
    %add3A_44 = arith.constant 2048 : i32
    %add3A_45 = arith.addi %add3A_41, %add3A_44 : i32
    "tpu.region"() ({
      %run_scoped3A = tpu.sem_alloc : memref<!tpu.dma_semaphore, #tpu.memory_space<semaphore_mem>>
      %dma_start3A = arith.constant 0 : i32
      %dma_start3A_70 = tpu.memref_slice %arg10[%dma_start3A] : memref<144xf32, #tpu.memory_space<vmem>> -> memref<128xf32, #tpu.memory_space<vmem>>
      %dma_start3A_71 = tpu.memref_slice %arg3[%add3A_45] : memref<12288xf32, #tpu.memory_space<hbm>> -> memref<128xf32, #tpu.memory_space<hbm>>
      %dma_start3A_72 = arith.constant 0 : i32
      %dma_start3A_73 = tpu.memref_slice %arg10[%dma_start3A_72] : memref<144xf32, #tpu.memory_space<vmem>> -> memref<128xf32, #tpu.memory_space<vmem>>
      %dma_start3A_74 = tpu.memref_slice %arg3[%add3A_45] : memref<12288xf32, #tpu.memory_space<hbm>> -> memref<128xf32, #tpu.memory_space<hbm>>
      tpu.enqueue_dma source(%dma_start3A_74 : memref<128xf32, #tpu.memory_space<hbm>>) target(%dma_start3A_73 : memref<128xf32, #tpu.memory_space<vmem>>) target_semaphore(%run_scoped3A : memref<!tpu.dma_semaphore, #tpu.memory_space<semaphore_mem>>)
      %dma_wait3A = arith.constant 0 : i32
      %dma_wait3A_75 = tpu.memref_slice %arg10[%dma_wait3A] : memref<144xf32, #tpu.memory_space<vmem>> -> memref<128xf32, #tpu.memory_space<vmem>>
      %dma_wait3A_76 = tpu.memref_slice %arg3[%add3A_45] : memref<12288xf32, #tpu.memory_space<hbm>> -> memref<128xf32, #tpu.memory_space<hbm>>
      %dma_wait3A_77 = arith.constant 0 : i32
      %dma_wait3A_78 = tpu.memref_slice %arg10[%dma_wait3A_77] : memref<144xf32, #tpu.memory_space<vmem>> -> memref<128xf32, #tpu.memory_space<vmem>>
      %dma_wait3A_79 = tpu.memref_slice %arg3[%add3A_45] : memref<12288xf32, #tpu.memory_space<hbm>> -> memref<128xf32, #tpu.memory_space<hbm>>
      tpu.wait_dma2 semaphore(%run_scoped3A : memref<!tpu.dma_semaphore, #tpu.memory_space<semaphore_mem>>) src(%dma_wait3A_79 : memref<128xf32, #tpu.memory_space<hbm>>) dst(%dma_wait3A_78 : memref<128xf32, #tpu.memory_space<vmem>>)
      tpu.yield
    }) : () -> ()
    %iota3A = tpu.iota {dimensions = array<i32: 0>} : vector<16xi32>
    %broadcast_in_dim3A = arith.constant 0x7F800000 : f32
    %broadcast_in_dim3A_46 = vector.broadcast %broadcast_in_dim3A : f32 to vector<16xf32>
    %broadcast_in_dim3A_47 = arith.constant 0 : i32
    %broadcast_in_dim3A_48 = vector.broadcast %broadcast_in_dim3A_47 : i32 to vector<16xi32>
    %scan3A = arith.constant 0 : i32
    %scan3A_49 = arith.constant 0 : i32
    %scan3A_50 = arith.constant 1024 : i32
    %scan3A_51 = arith.addi %scan3A_49, %scan3A_50 : i32
    %scan3A_52 = arith.constant 1 : i32
    %scan3A_53 = scf.for %scan3A_70 = %scan3A_49 to %scan3A_51 step %scan3A_52 iter_args(%scan3A_71 = %scan3A) -> (i32)  : i32 {
      %mul3A_72 = arith.constant 16 : i32
      %mul3A_73 = arith.muli %scan3A_70, %mul3A_72 : i32
      %get3A = arith.index_cast %mul3A_73 : i32 to index
      %get3A_74 = tpu.vector_load %arg5[%get3A] {strides = array<i32>} : memref<16384xf32, #tpu.memory_space<vmem>>, vector<16xf32>,
      %get3A_75 = arith.index_cast %mul3A_73 : i32 to index
      %get3A_76 = tpu.vector_load %arg6[%get3A_75] {strides = array<i32>} : memref<16384xf32, #tpu.memory_space<vmem>>, vector<16xf32>,
      %get3A_77 = arith.index_cast %mul3A_73 : i32 to index
      %get3A_78 = tpu.vector_load %arg7[%get3A_77] {strides = array<i32>} : memref<16384xf32, #tpu.memory_space<vmem>>, vector<16xf32>,
      %mul3A_79 = arith.mulf %get3A_74, %get3A_74 : vector<16xf32>
      %mul3A_80 = arith.mulf %get3A_76, %get3A_76 : vector<16xf32>
      %add3A_81 = arith.addf %mul3A_79, %mul3A_80 : vector<16xf32>
      %mul3A_82 = arith.mulf %get3A_78, %get3A_78 : vector<16xf32>
      %add3A_83 = arith.addf %add3A_81, %mul3A_82 : vector<16xf32>
      %swap3A = arith.index_cast %mul3A_73 : i32 to index
      %swap3A_84 = tpu.vector_load %arg14[%swap3A] {strides = array<i32>} : memref<16384xf32, #tpu.memory_space<vmem>>, vector<16xf32>,
      tpu.vector_store %arg14[%swap3A], %add3A_83 {strides = array<i32>} : memref<16384xf32, #tpu.memory_space<vmem>>, vector<16xf32>,
      %bitcast3A = vector.bitcast %get3A_74 : vector<16xf32> to vector<16xi32>
      %add3A_85 = arith.constant 32767 : i32
      %add3A_86 = vector.broadcast %add3A_85 : i32 to vector<16xi32>
      %add3A_87 = arith.addi %bitcast3A, %add3A_86 : vector<16xi32>
      %shift_right_logical3A = arith.constant 16 : i32
      %shift_right_logical3A_88 = vector.broadcast %shift_right_logical3A : i32 to vector<16xi32>
      %shift_right_logical3A_89 = arith.shrui %bitcast3A, %shift_right_logical3A_88 : vector<16xi32>
      %and3A_90 = arith.constant 1 : i32
      %and3A_91 = vector.broadcast %and3A_90 : i32 to vector<16xi32>
      %and3A_92 = arith.andi %shift_right_logical3A_89, %and3A_91 : vector<16xi32>
      %add3A_93 = arith.addi %add3A_87, %and3A_92 : vector<16xi32>
      %and3A_94 = arith.constant -65536 : i32
      %and3A_95 = vector.broadcast %and3A_94 : i32 to vector<16xi32>
      %and3A_96 = arith.andi %add3A_93, %and3A_95 : vector<16xi32>
      %bitcast3A_97 = vector.bitcast %and3A_96 : vector<16xi32> to vector<16xf32>
      %swap3A_98 = arith.index_cast %mul3A_73 : i32 to index
      %swap3A_99 = tpu.vector_load %arg5[%swap3A_98] {strides = array<i32>} : memref<16384xf32, #tpu.memory_space<vmem>>, vector<16xf32>,
      tpu.vector_store %arg5[%swap3A_98], %bitcast3A_97 {strides = array<i32>} : memref<16384xf32, #tpu.memory_space<vmem>>, vector<16xf32>,
      %bitcast3A_100 = vector.bitcast %get3A_76 : vector<16xf32> to vector<16xi32>
      %add3A_101 = arith.constant 32767 : i32
      %add3A_102 = vector.broadcast %add3A_101 : i32 to vector<16xi32>
      %add3A_103 = arith.addi %bitcast3A_100, %add3A_102 : vector<16xi32>
      %shift_right_logical3A_104 = arith.constant 16 : i32
      %shift_right_logical3A_105 = vector.broadcast %shift_right_logical3A_104 : i32 to vector<16xi32>
      %shift_right_logical3A_106 = arith.shrui %bitcast3A_100, %shift_right_logical3A_105 : vector<16xi32>
      %and3A_107 = arith.constant 1 : i32
      %and3A_108 = vector.broadcast %and3A_107 : i32 to vector<16xi32>
      %and3A_109 = arith.andi %shift_right_logical3A_106, %and3A_108 : vector<16xi32>
      %add3A_110 = arith.addi %add3A_103, %and3A_109 : vector<16xi32>
      %and3A_111 = arith.constant -65536 : i32
      %and3A_112 = vector.broadcast %and3A_111 : i32 to vector<16xi32>
      %and3A_113 = arith.andi %add3A_110, %and3A_112 : vector<16xi32>
      %bitcast3A_114 = vector.bitcast %and3A_113 : vector<16xi32> to vector<16xf32>
      %swap3A_115 = arith.index_cast %mul3A_73 : i32 to index
      %swap3A_116 = tpu.vector_load %arg6[%swap3A_115] {strides = array<i32>} : memref<16384xf32, #tpu.memory_space<vmem>>, vector<16xf32>,
      tpu.vector_store %arg6[%swap3A_115], %bitcast3A_114 {strides = array<i32>} : memref<16384xf32, #tpu.memory_space<vmem>>, vector<16xf32>,
      %bitcast3A_117 = vector.bitcast %get3A_78 : vector<16xf32> to vector<16xi32>
      %add3A_118 = arith.constant 32767 : i32
      %add3A_119 = vector.broadcast %add3A_118 : i32 to vector<16xi32>
      %add3A_120 = arith.addi %bitcast3A_117, %add3A_119 : vector<16xi32>
      %shift_right_logical3A_121 = arith.constant 16 : i32
      %shift_right_logical3A_122 = vector.broadcast %shift_right_logical3A_121 : i32 to vector<16xi32>
      %shift_right_logical3A_123 = arith.shrui %bitcast3A_117, %shift_right_logical3A_122 : vector<16xi32>
      %and3A_124 = arith.constant 1 : i32
      %and3A_125 = vector.broadcast %and3A_124 : i32 to vector<16xi32>
      %and3A_126 = arith.andi %shift_right_logical3A_123, %and3A_125 : vector<16xi32>
      %add3A_127 = arith.addi %add3A_120, %and3A_126 : vector<16xi32>
      %and3A_128 = arith.constant -65536 : i32
      %and3A_129 = vector.broadcast %and3A_128 : i32 to vector<16xi32>
      %and3A_130 = arith.andi %add3A_127, %and3A_129 : vector<16xi32>
      %bitcast3A_131 = vector.bitcast %and3A_130 : vector<16xi32> to vector<16xf32>
      %swap3A_132 = arith.index_cast %mul3A_73 : i32 to index
      %swap3A_133 = tpu.vector_load %arg7[%swap3A_132] {strides = array<i32>} : memref<16384xf32, #tpu.memory_space<vmem>>, vector<16xf32>,
      tpu.vector_store %arg7[%swap3A_132], %bitcast3A_131 {strides = array<i32>} : memref<16384xf32, #tpu.memory_space<vmem>>, vector<16xf32>,
      %scan3A_134 = arith.constant 0 : i32
      scf.yield %scan3A_134 : i32
    }
    %scan3A_54 = arith.constant 1024 : i32
    %scan3A_55 = arith.constant 0.00159999984 : f32
    %scan3A_56 = arith.constant 0 : i32
    %scan3A_57 = arith.constant 0 : i32
    %scan3A_58 = arith.constant 128 : i32
    %scan3A_59 = arith.addi %scan3A_57, %scan3A_58 : i32
    %scan3A_60 = arith.constant 1 : i32
    %scan3A_61 = scf.for %scan3A_70 = %scan3A_57 to %scan3A_59 step %scan3A_60 iter_args(%scan3A_71 = %scan3A_56) -> (i32)  : i32 {
      %get3A = arith.index_cast %scan3A_70 : i32 to index
      %get3A_72 = tpu.vector_load %arg8[%get3A] {strides = array<i32>} : memref<144xf32, #tpu.memory_space<vmem>>, vector<16xf32>,
      %slice3A = vector.extract_strided_slice %get3A_72 {offsets = [0], sizes = [1], strides = [1]} : vector<16xf32> to vector<1xf32>
      %squeeze3A = vector.extract %slice3A[0] : f32 from vector<1xf32>
      %broadcast_in_dim3A_73 = vector.broadcast %squeeze3A : f32 to vector<16xf32>
      %get3A_74 = arith.index_cast %scan3A_70 : i32 to index
      %get3A_75 = tpu.vector_load %arg9[%get3A_74] {strides = array<i32>} : memref<144xf32, #tpu.memory_space<vmem>>, vector<16xf32>,
      %slice3A_76 = vector.extract_strided_slice %get3A_75 {offsets = [0], sizes = [1], strides = [1]} : vector<16xf32> to vector<1xf32>
      %squeeze3A_77 = vector.extract %slice3A_76[0] : f32 from vector<1xf32>
      %broadcast_in_dim3A_78 = vector.broadcast %squeeze3A_77 : f32 to vector<16xf32>
      %get3A_79 = arith.index_cast %scan3A_70 : i32 to index
      %get3A_80 = tpu.vector_load %arg10[%get3A_79] {strides = array<i32>} : memref<144xf32, #tpu.memory_space<vmem>>, vector<16xf32>,
      %slice3A_81 = vector.extract_strided_slice %get3A_80 {offsets = [0], sizes = [1], strides = [1]} : vector<16xf32> to vector<1xf32>
      %squeeze3A_82 = vector.extract %slice3A_81[0] : f32 from vector<1xf32>
      %broadcast_in_dim3A_83 = vector.broadcast %squeeze3A_82 : f32 to vector<16xf32>
      %mul3A_84 = arith.mulf %broadcast_in_dim3A_73, %broadcast_in_dim3A_73 : vector<16xf32>
      %mul3A_85 = arith.mulf %broadcast_in_dim3A_78, %broadcast_in_dim3A_78 : vector<16xf32>
      %add3A_86 = arith.addf %mul3A_84, %mul3A_85 : vector<16xf32>
      %mul3A_87 = arith.mulf %broadcast_in_dim3A_83, %broadcast_in_dim3A_83 : vector<16xf32>
      %add3A_88 = arith.addf %add3A_86, %mul3A_87 : vector<16xf32>
      %bitcast3A = vector.bitcast %broadcast_in_dim3A_73 : vector<16xf32> to vector<16xi32>
      %add3A_89 = arith.constant 32767 : i32
      %add3A_90 = vector.broadcast %add3A_89 : i32 to vector<16xi32>
      %add3A_91 = arith.addi %bitcast3A, %add3A_90 : vector<16xi32>
      %shift_right_logical3A = arith.constant 16 : i32
      %shift_right_logical3A_92 = vector.broadcast %shift_right_logical3A : i32 to vector<16xi32>
      %shift_right_logical3A_93 = arith.shrui %bitcast3A, %shift_right_logical3A_92 : vector<16xi32>
      %and3A_94 = arith.constant 1 : i32
      %and3A_95 = vector.broadcast %and3A_94 : i32 to vector<16xi32>
      %and3A_96 = arith.andi %shift_right_logical3A_93, %and3A_95 : vector<16xi32>
      %add3A_97 = arith.addi %add3A_91, %and3A_96 : vector<16xi32>
      %and3A_98 = arith.constant -65536 : i32
      %and3A_99 = vector.broadcast %and3A_98 : i32 to vector<16xi32>
      %and3A_100 = arith.andi %add3A_97, %and3A_99 : vector<16xi32>
      %bitcast3A_101 = vector.bitcast %and3A_100 : vector<16xi32> to vector<16xf32>
      %bitcast3A_102 = vector.bitcast %broadcast_in_dim3A_78 : vector<16xf32> to vector<16xi32>
      %add3A_103 = arith.constant 32767 : i32
      %add3A_104 = vector.broadcast %add3A_103 : i32 to vector<16xi32>
      %add3A_105 = arith.addi %bitcast3A_102, %add3A_104 : vector<16xi32>
      %shift_right_logical3A_106 = arith.constant 16 : i32
      %shift_right_logical3A_107 = vector.broadcast %shift_right_logical3A_106 : i32 to vector<16xi32>
      %shift_right_logical3A_108 = arith.shrui %bitcast3A_102, %shift_right_logical3A_107 : vector<16xi32>
      %and3A_109 = arith.constant 1 : i32
      %and3A_110 = vector.broadcast %and3A_109 : i32 to vector<16xi32>
      %and3A_111 = arith.andi %shift_right_logical3A_108, %and3A_110 : vector<16xi32>
      %add3A_112 = arith.addi %add3A_105, %and3A_111 : vector<16xi32>
      %and3A_113 = arith.constant -65536 : i32
      %and3A_114 = vector.broadcast %and3A_113 : i32 to vector<16xi32>
      %and3A_115 = arith.andi %add3A_112, %and3A_114 : vector<16xi32>
      %bitcast3A_116 = vector.bitcast %and3A_115 : vector<16xi32> to vector<16xf32>
      %bitcast3A_117 = vector.bitcast %broadcast_in_dim3A_83 : vector<16xf32> to vector<16xi32>
      %add3A_118 = arith.constant 32767 : i32
      %add3A_119 = vector.broadcast %add3A_118 : i32 to vector<16xi32>
      %add3A_120 = arith.addi %bitcast3A_117, %add3A_119 : vector<16xi32>
      %shift_right_logical3A_121 = arith.constant 16 : i32
      %shift_right_logical3A_122 = vector.broadcast %shift_right_logical3A_121 : i32 to vector<16xi32>
      %shift_right_logical3A_123 = arith.shrui %bitcast3A_117, %shift_right_logical3A_122 : vector<16xi32>
      %and3A_124 = arith.constant 1 : i32
      %and3A_125 = vector.broadcast %and3A_124 : i32 to vector<16xi32>
      %and3A_126 = arith.andi %shift_right_logical3A_123, %and3A_125 : vector<16xi32>
      %add3A_127 = arith.addi %add3A_120, %and3A_126 : vector<16xi32>
      %and3A_128 = arith.constant -65536 : i32
      %and3A_129 = vector.broadcast %and3A_128 : i32 to vector<16xi32>
      %and3A_130 = arith.andi %add3A_127, %and3A_129 : vector<16xi32>
      %bitcast3A_131 = vector.bitcast %and3A_130 : vector<16xi32> to vector<16xf32>
      %scan3A_132 = arith.constant 0 : i32
      %scan3A_133 = arith.constant 0 : i32
      %scan3A_134 = arith.constant 128 : i32
      %scan3A_135 = arith.addi %scan3A_133, %scan3A_134 : i32
      %scan3A_136 = arith.constant 1 : i32
      %scan3A_137:3 = scf.for %scan3A_302 = %scan3A_133 to %scan3A_135 step %scan3A_136 iter_args(%scan3A_303 = %broadcast_in_dim3A_46, %scan3A_304 = %broadcast_in_dim3A_48, %scan3A_305 = %scan3A_132) -> (vector<16xf32>, vector<16xi32>, i32)  : i32 {
        %mul3A_306 = arith.constant 128 : i32
        %mul3A_307 = arith.muli %scan3A_302, %mul3A_306 : i32
        %add3A_308 = arith.constant 0 : i32
        %add3A_309 = arith.addi %mul3A_307, %add3A_308 : i32
        %get3A_310 = arith.index_cast %add3A_309 : i32 to index
        %get3A_311 = tpu.vector_load %arg5[%get3A_310] {strides = array<i32>} : memref<16384xf32, #tpu.memory_space<vmem>>, vector<16xf32>,
        %get3A_312 = arith.index_cast %add3A_309 : i32 to index
        %get3A_313 = tpu.vector_load %arg6[%get3A_312] {strides = array<i32>} : memref<16384xf32, #tpu.memory_space<vmem>>, vector<16xf32>,
        %get3A_314 = arith.index_cast %add3A_309 : i32 to index
        %get3A_315 = tpu.vector_load %arg7[%get3A_314] {strides = array<i32>} : memref<16384xf32, #tpu.memory_space<vmem>>, vector<16xf32>,
        %get3A_316 = arith.index_cast %add3A_309 : i32 to index
        %get3A_317 = tpu.vector_load %arg14[%get3A_316] {strides = array<i32>} : memref<16384xf32, #tpu.memory_space<vmem>>, vector<16xf32>,
        %mul3A_318 = arith.mulf %get3A_311, %bitcast3A_101 : vector<16xf32>
        %mul3A_319 = arith.mulf %get3A_313, %bitcast3A_116 : vector<16xf32>
        %add3A_320 = arith.addf %mul3A_318, %mul3A_319 : vector<16xf32>
        %mul3A_321 = arith.mulf %get3A_315, %bitcast3A_131 : vector<16xf32>
        %add3A_322 = arith.addf %add3A_320, %mul3A_321 : vector<16xf32>
        %add3A_323 = arith.addf %add3A_88, %get3A_317 : vector<16xf32>
        %mul3A_324 = arith.constant 2.000000e+00 : f32
        %mul3A_325 = vector.broadcast %mul3A_324 : f32 to vector<16xf32>
        %mul3A_326 = arith.mulf %mul3A_325, %add3A_322 : vector<16xf32>
        %sub3A_327 = arith.subf %add3A_323, %mul3A_326 : vector<16xf32>
        %max3A = arith.constant 0.000000e+00 : f32
        %max3A_328 = vector.broadcast %max3A : f32 to vector<16xf32>
        %max3A_329 = arith.maximumf %sub3A_327, %max3A_328 : vector<16xf32>
        %broadcast_in_dim3A_330 = vector.broadcast %add3A_309 : i32 to vector<16xi32>
        %add3A_331 = arith.addi %broadcast_in_dim3A_330, %iota3A : vector<16xi32>
        %lt3A_332 = arith.cmpf olt, %max3A_329, %scan3A_303 : vector<16xf32>
        %select_n3A_333 = arith.select %lt3A_332, %add3A_331, %scan3A_304 : vector<16xi1>, vector<16xi32>
        %select_n3A_334 = arith.select %lt3A_332, %max3A_329, %scan3A_303 : vector<16xi1>, vector<16xf32>
        %min3A = arith.minimumf %broadcast_in_dim3A_46, %max3A_329 : vector<16xf32>
        %add3A_335 = arith.constant 16 : i32
        %add3A_336 = arith.addi %mul3A_307, %add3A_335 : i32
        %get3A_337 = arith.index_cast %add3A_336 : i32 to index
        %get3A_338 = tpu.vector_load %arg5[%get3A_337] {strides = array<i32>} : memref<16384xf32, #tpu.memory_space<vmem>>, vector<16xf32>,
        %get3A_339 = arith.index_cast %add3A_336 : i32 to index
        %get3A_340 = tpu.vector_load %arg6[%get3A_339] {strides = array<i32>} : memref<16384xf32, #tpu.memory_space<vmem>>, vector<16xf32>,
        %get3A_341 = arith.index_cast %add3A_336 : i32 to index
        %get3A_342 = tpu.vector_load %arg7[%get3A_341] {strides = array<i32>} : memref<16384xf32, #tpu.memory_space<vmem>>, vector<16xf32>,
        %get3A_343 = arith.index_cast %add3A_336 : i32 to index
        %get3A_344 = tpu.vector_load %arg14[%get3A_343] {strides = array<i32>} : memref<16384xf32, #tpu.memory_space<vmem>>, vector<16xf32>,
        %mul3A_345 = arith.mulf %get3A_338, %bitcast3A_101 : vector<16xf32>
        %mul3A_346 = arith.mulf %get3A_340, %bitcast3A_116 : vector<16xf32>
        %add3A_347 = arith.addf %mul3A_345, %mul3A_346 : vector<16xf32>
        %mul3A_348 = arith.mulf %get3A_342, %bitcast3A_131 : vector<16xf32>
        %add3A_349 = arith.addf %add3A_347, %mul3A_348 : vector<16xf32>
        %add3A_350 = arith.addf %add3A_88, %get3A_344 : vector<16xf32>
        %mul3A_351 = arith.constant 2.000000e+00 : f32
        %mul3A_352 = vector.broadcast %mul3A_351 : f32 to vector<16xf32>
        %mul3A_353 = arith.mulf %mul3A_352, %add3A_349 : vector<16xf32>
        %sub3A_354 = arith.subf %add3A_350, %mul3A_353 : vector<16xf32>
        %max3A_355 = arith.constant 0.000000e+00 : f32
        %max3A_356 = vector.broadcast %max3A_355 : f32 to vector<16xf32>
        %max3A_357 = arith.maximumf %sub3A_354, %max3A_356 : vector<16xf32>
        %broadcast_in_dim3A_358 = vector.broadcast %add3A_336 : i32 to vector<16xi32>
        %add3A_359 = arith.addi %broadcast_in_dim3A_358, %iota3A : vector<16xi32>
        %lt3A_360 = arith.cmpf olt, %max3A_357, %select_n3A_334 : vector<16xf32>
        %select_n3A_361 = arith.select %lt3A_360, %add3A_359, %select_n3A_333 : vector<16xi1>, vector<16xi32>
        %select_n3A_362 = arith.select %lt3A_360, %max3A_357, %select_n3A_334 : vector<16xi1>, vector<16xf32>
        %min3A_363 = arith.minimumf %min3A, %max3A_357 : vector<16xf32>
        %add3A_364 = arith.constant 32 : i32
        %add3A_365 = arith.addi %mul3A_307, %add3A_364 : i32
        %get3A_366 = arith.index_cast %add3A_365 : i32 to index
        %get3A_367 = tpu.vector_load %arg5[%get3A_366] {strides = array<i32>} : memref<16384xf32, #tpu.memory_space<vmem>>, vector<16xf32>,
        %get3A_368 = arith.index_cast %add3A_365 : i32 to index
        %get3A_369 = tpu.vector_load %arg6[%get3A_368] {strides = array<i32>} : memref<16384xf32, #tpu.memory_space<vmem>>, vector<16xf32>,
        %get3A_370 = arith.index_cast %add3A_365 : i32 to index
        %get3A_371 = tpu.vector_load %arg7[%get3A_370] {strides = array<i32>} : memref<16384xf32, #tpu.memory_space<vmem>>, vector<16xf32>,
        %get3A_372 = arith.index_cast %add3A_365 : i32 to index
        %get3A_373 = tpu.vector_load %arg14[%get3A_372] {strides = array<i32>} : memref<16384xf32, #tpu.memory_space<vmem>>, vector<16xf32>,
        %mul3A_374 = arith.mulf %get3A_367, %bitcast3A_101 : vector<16xf32>
        %mul3A_375 = arith.mulf %get3A_369, %bitcast3A_116 : vector<16xf32>
        %add3A_376 = arith.addf %mul3A_374, %mul3A_375 : vector<16xf32>
        %mul3A_377 = arith.mulf %get3A_371, %bitcast3A_131 : vector<16xf32>
        %add3A_378 = arith.addf %add3A_376, %mul3A_377 : vector<16xf32>
        %add3A_379 = arith.addf %add3A_88, %get3A_373 : vector<16xf32>
        %mul3A_380 = arith.constant 2.000000e+00 : f32
        %mul3A_381 = vector.broadcast %mul3A_380 : f32 to vector<16xf32>
        %mul3A_382 = arith.mulf %mul3A_381, %add3A_378 : vector<16xf32>
        %sub3A_383 = arith.subf %add3A_379, %mul3A_382 : vector<16xf32>
        %max3A_384 = arith.constant 0.000000e+00 : f32
        %max3A_385 = vector.broadcast %max3A_384 : f32 to vector<16xf32>
        %max3A_386 = arith.maximumf %sub3A_383, %max3A_385 : vector<16xf32>
        %broadcast_in_dim3A_387 = vector.broadcast %add3A_365 : i32 to vector<16xi32>
        %add3A_388 = arith.addi %broadcast_in_dim3A_387, %iota3A : vector<16xi32>
        %lt3A_389 = arith.cmpf olt, %max3A_386, %select_n3A_362 : vector<16xf32>
        %select_n3A_390 = arith.select %lt3A_389, %add3A_388, %select_n3A_361 : vector<16xi1>, vector<16xi32>
        %select_n3A_391 = arith.select %lt3A_389, %max3A_386, %select_n3A_362 : vector<16xi1>, vector<16xf32>
        %min3A_392 = arith.minimumf %min3A_363, %max3A_386 : vector<16xf32>
        %add3A_393 = arith.constant 48 : i32
        %add3A_394 = arith.addi %mul3A_307, %add3A_393 : i32
        %get3A_395 = arith.index_cast %add3A_394 : i32 to index
        %get3A_396 = tpu.vector_load %arg5[%get3A_395] {strides = array<i32>} : memref<16384xf32, #tpu.memory_space<vmem>>, vector<16xf32>,
        %get3A_397 = arith.index_cast %add3A_394 : i32 to index
        %get3A_398 = tpu.vector_load %arg6[%get3A_397] {strides = array<i32>} : memref<16384xf32, #tpu.memory_space<vmem>>, vector<16xf32>,
        %get3A_399 = arith.index_cast %add3A_394 : i32 to index
        %get3A_400 = tpu.vector_load %arg7[%get3A_399] {strides = array<i32>} : memref<16384xf32, #tpu.memory_space<vmem>>, vector<16xf32>,
        %get3A_401 = arith.index_cast %add3A_394 : i32 to index
        %get3A_402 = tpu.vector_load %arg14[%get3A_401] {strides = array<i32>} : memref<16384xf32, #tpu.memory_space<vmem>>, vector<16xf32>,
        %mul3A_403 = arith.mulf %get3A_396, %bitcast3A_101 : vector<16xf32>
        %mul3A_404 = arith.mulf %get3A_398, %bitcast3A_116 : vector<16xf32>
        %add3A_405 = arith.addf %mul3A_403, %mul3A_404 : vector<16xf32>
        %mul3A_406 = arith.mulf %get3A_400, %bitcast3A_131 : vector<16xf32>
        %add3A_407 = arith.addf %add3A_405, %mul3A_406 : vector<16xf32>
        %add3A_408 = arith.addf %add3A_88, %get3A_402 : vector<16xf32>
        %mul3A_409 = arith.constant 2.000000e+00 : f32
        %mul3A_410 = vector.broadcast %mul3A_409 : f32 to vector<16xf32>
        %mul3A_411 = arith.mulf %mul3A_410, %add3A_407 : vector<16xf32>
        %sub3A_412 = arith.subf %add3A_408, %mul3A_411 : vector<16xf32>
        %max3A_413 = arith.constant 0.000000e+00 : f32
        %max3A_414 = vector.broadcast %max3A_413 : f32 to vector<16xf32>
        %max3A_415 = arith.maximumf %sub3A_412, %max3A_414 : vector<16xf32>
        %broadcast_in_dim3A_416 = vector.broadcast %add3A_394 : i32 to vector<16xi32>
        %add3A_417 = arith.addi %broadcast_in_dim3A_416, %iota3A : vector<16xi32>
        %lt3A_418 = arith.cmpf olt, %max3A_415, %select_n3A_391 : vector<16xf32>
        %select_n3A_419 = arith.select %lt3A_418, %add3A_417, %select_n3A_390 : vector<16xi1>, vector<16xi32>
        %select_n3A_420 = arith.select %lt3A_418, %max3A_415, %select_n3A_391 : vector<16xi1>, vector<16xf32>
        %min3A_421 = arith.minimumf %min3A_392, %max3A_415 : vector<16xf32>
        %add3A_422 = arith.constant 64 : i32
        %add3A_423 = arith.addi %mul3A_307, %add3A_422 : i32
        %get3A_424 = arith.index_cast %add3A_423 : i32 to index
        %get3A_425 = tpu.vector_load %arg5[%get3A_424] {strides = array<i32>} : memref<16384xf32, #tpu.memory_space<vmem>>, vector<16xf32>,
        %get3A_426 = arith.index_cast %add3A_423 : i32 to index
        %get3A_427 = tpu.vector_load %arg6[%get3A_426] {strides = array<i32>} : memref<16384xf32, #tpu.memory_space<vmem>>, vector<16xf32>,
        %get3A_428 = arith.index_cast %add3A_423 : i32 to index
        %get3A_429 = tpu.vector_load %arg7[%get3A_428] {strides = array<i32>} : memref<16384xf32, #tpu.memory_space<vmem>>, vector<16xf32>,
        %get3A_430 = arith.index_cast %add3A_423 : i32 to index
        %get3A_431 = tpu.vector_load %arg14[%get3A_430] {strides = array<i32>} : memref<16384xf32, #tpu.memory_space<vmem>>, vector<16xf32>,
        %mul3A_432 = arith.mulf %get3A_425, %bitcast3A_101 : vector<16xf32>
        %mul3A_433 = arith.mulf %get3A_427, %bitcast3A_116 : vector<16xf32>
        %add3A_434 = arith.addf %mul3A_432, %mul3A_433 : vector<16xf32>
        %mul3A_435 = arith.mulf %get3A_429, %bitcast3A_131 : vector<16xf32>
        %add3A_436 = arith.addf %add3A_434, %mul3A_435 : vector<16xf32>
        %add3A_437 = arith.addf %add3A_88, %get3A_431 : vector<16xf32>
        %mul3A_438 = arith.constant 2.000000e+00 : f32
        %mul3A_439 = vector.broadcast %mul3A_438 : f32 to vector<16xf32>
        %mul3A_440 = arith.mulf %mul3A_439, %add3A_436 : vector<16xf32>
        %sub3A_441 = arith.subf %add3A_437, %mul3A_440 : vector<16xf32>
        %max3A_442 = arith.constant 0.000000e+00 : f32
        %max3A_443 = vector.broadcast %max3A_442 : f32 to vector<16xf32>
        %max3A_444 = arith.maximumf %sub3A_441, %max3A_443 : vector<16xf32>
        %broadcast_in_dim3A_445 = vector.broadcast %add3A_423 : i32 to vector<16xi32>
        %add3A_446 = arith.addi %broadcast_in_dim3A_445, %iota3A : vector<16xi32>
        %lt3A_447 = arith.cmpf olt, %max3A_444, %select_n3A_420 : vector<16xf32>
        %select_n3A_448 = arith.select %lt3A_447, %add3A_446, %select_n3A_419 : vector<16xi1>, vector<16xi32>
        %select_n3A_449 = arith.select %lt3A_447, %max3A_444, %select_n3A_420 : vector<16xi1>, vector<16xf32>
        %min3A_450 = arith.minimumf %min3A_421, %max3A_444 : vector<16xf32>
        %add3A_451 = arith.constant 80 : i32
        %add3A_452 = arith.addi %mul3A_307, %add3A_451 : i32
        %get3A_453 = arith.index_cast %add3A_452 : i32 to index
        %get3A_454 = tpu.vector_load %arg5[%get3A_453] {strides = array<i32>} : memref<16384xf32, #tpu.memory_space<vmem>>, vector<16xf32>,
        %get3A_455 = arith.index_cast %add3A_452 : i32 to index
        %get3A_456 = tpu.vector_load %arg6[%get3A_455] {strides = array<i32>} : memref<16384xf32, #tpu.memory_space<vmem>>, vector<16xf32>,
        %get3A_457 = arith.index_cast %add3A_452 : i32 to index
        %get3A_458 = tpu.vector_load %arg7[%get3A_457] {strides = array<i32>} : memref<16384xf32, #tpu.memory_space<vmem>>, vector<16xf32>,
        %get3A_459 = arith.index_cast %add3A_452 : i32 to index
        %get3A_460 = tpu.vector_load %arg14[%get3A_459] {strides = array<i32>} : memref<16384xf32, #tpu.memory_space<vmem>>, vector<16xf32>,
        %mul3A_461 = arith.mulf %get3A_454, %bitcast3A_101 : vector<16xf32>
        %mul3A_462 = arith.mulf %get3A_456, %bitcast3A_116 : vector<16xf32>
        %add3A_463 = arith.addf %mul3A_461, %mul3A_462 : vector<16xf32>
        %mul3A_464 = arith.mulf %get3A_458, %bitcast3A_131 : vector<16xf32>
        %add3A_465 = arith.addf %add3A_463, %mul3A_464 : vector<16xf32>
        %add3A_466 = arith.addf %add3A_88, %get3A_460 : vector<16xf32>
        %mul3A_467 = arith.constant 2.000000e+00 : f32
        %mul3A_468 = vector.broadcast %mul3A_467 : f32 to vector<16xf32>
        %mul3A_469 = arith.mulf %mul3A_468, %add3A_465 : vector<16xf32>
        %sub3A_470 = arith.subf %add3A_466, %mul3A_469 : vector<16xf32>
        %max3A_471 = arith.constant 0.000000e+00 : f32
        %max3A_472 = vector.broadcast %max3A_471 : f32 to vector<16xf32>
        %max3A_473 = arith.maximumf %sub3A_470, %max3A_472 : vector<16xf32>
        %broadcast_in_dim3A_474 = vector.broadcast %add3A_452 : i32 to vector<16xi32>
        %add3A_475 = arith.addi %broadcast_in_dim3A_474, %iota3A : vector<16xi32>
        %lt3A_476 = arith.cmpf olt, %max3A_473, %select_n3A_449 : vector<16xf32>
        %select_n3A_477 = arith.select %lt3A_476, %add3A_475, %select_n3A_448 : vector<16xi1>, vector<16xi32>
        %select_n3A_478 = arith.select %lt3A_476, %max3A_473, %select_n3A_449 : vector<16xi1>, vector<16xf32>
        %min3A_479 = arith.minimumf %min3A_450, %max3A_473 : vector<16xf32>
        %add3A_480 = arith.constant 96 : i32
        %add3A_481 = arith.addi %mul3A_307, %add3A_480 : i32
        %get3A_482 = arith.index_cast %add3A_481 : i32 to index
        %get3A_483 = tpu.vector_load %arg5[%get3A_482] {strides = array<i32>} : memref<16384xf32, #tpu.memory_space<vmem>>, vector<16xf32>,
        %get3A_484 = arith.index_cast %add3A_481 : i32 to index
        %get3A_485 = tpu.vector_load %arg6[%get3A_484] {strides = array<i32>} : memref<16384xf32, #tpu.memory_space<vmem>>, vector<16xf32>,
        %get3A_486 = arith.index_cast %add3A_481 : i32 to index
        %get3A_487 = tpu.vector_load %arg7[%get3A_486] {strides = array<i32>} : memref<16384xf32, #tpu.memory_space<vmem>>, vector<16xf32>,
        %get3A_488 = arith.index_cast %add3A_481 : i32 to index
        %get3A_489 = tpu.vector_load %arg14[%get3A_488] {strides = array<i32>} : memref<16384xf32, #tpu.memory_space<vmem>>, vector<16xf32>,
        %mul3A_490 = arith.mulf %get3A_483, %bitcast3A_101 : vector<16xf32>
        %mul3A_491 = arith.mulf %get3A_485, %bitcast3A_116 : vector<16xf32>
        %add3A_492 = arith.addf %mul3A_490, %mul3A_491 : vector<16xf32>
        %mul3A_493 = arith.mulf %get3A_487, %bitcast3A_131 : vector<16xf32>
        %add3A_494 = arith.addf %add3A_492, %mul3A_493 : vector<16xf32>
        %add3A_495 = arith.addf %add3A_88, %get3A_489 : vector<16xf32>
        %mul3A_496 = arith.constant 2.000000e+00 : f32
        %mul3A_497 = vector.broadcast %mul3A_496 : f32 to vector<16xf32>
        %mul3A_498 = arith.mulf %mul3A_497, %add3A_494 : vector<16xf32>
        %sub3A_499 = arith.subf %add3A_495, %mul3A_498 : vector<16xf32>
        %max3A_500 = arith.constant 0.000000e+00 : f32
        %max3A_501 = vector.broadcast %max3A_500 : f32 to vector<16xf32>
        %max3A_502 = arith.maximumf %sub3A_499, %max3A_501 : vector<16xf32>
        %broadcast_in_dim3A_503 = vector.broadcast %add3A_481 : i32 to vector<16xi32>
        %add3A_504 = arith.addi %broadcast_in_dim3A_503, %iota3A : vector<16xi32>
        %lt3A_505 = arith.cmpf olt, %max3A_502, %select_n3A_478 : vector<16xf32>
        %select_n3A_506 = arith.select %lt3A_505, %add3A_504, %select_n3A_477 : vector<16xi1>, vector<16xi32>
        %select_n3A_507 = arith.select %lt3A_505, %max3A_502, %select_n3A_478 : vector<16xi1>, vector<16xf32>
        %min3A_508 = arith.minimumf %min3A_479, %max3A_502 : vector<16xf32>
        %add3A_509 = arith.constant 112 : i32
        %add3A_510 = arith.addi %mul3A_307, %add3A_509 : i32
        %get3A_511 = arith.index_cast %add3A_510 : i32 to index
        %get3A_512 = tpu.vector_load %arg5[%get3A_511] {strides = array<i32>} : memref<16384xf32, #tpu.memory_space<vmem>>, vector<16xf32>,
        %get3A_513 = arith.index_cast %add3A_510 : i32 to index
        %get3A_514 = tpu.vector_load %arg6[%get3A_513] {strides = array<i32>} : memref<16384xf32, #tpu.memory_space<vmem>>, vector<16xf32>,
        %get3A_515 = arith.index_cast %add3A_510 : i32 to index
        %get3A_516 = tpu.vector_load %arg7[%get3A_515] {strides = array<i32>} : memref<16384xf32, #tpu.memory_space<vmem>>, vector<16xf32>,
        %get3A_517 = arith.index_cast %add3A_510 : i32 to index
        %get3A_518 = tpu.vector_load %arg14[%get3A_517] {strides = array<i32>} : memref<16384xf32, #tpu.memory_space<vmem>>, vector<16xf32>,
        %mul3A_519 = arith.mulf %get3A_512, %bitcast3A_101 : vector<16xf32>
        %mul3A_520 = arith.mulf %get3A_514, %bitcast3A_116 : vector<16xf32>
        %add3A_521 = arith.addf %mul3A_519, %mul3A_520 : vector<16xf32>
        %mul3A_522 = arith.mulf %get3A_516, %bitcast3A_131 : vector<16xf32>
        %add3A_523 = arith.addf %add3A_521, %mul3A_522 : vector<16xf32>
        %add3A_524 = arith.addf %add3A_88, %get3A_518 : vector<16xf32>
        %mul3A_525 = arith.constant 2.000000e+00 : f32
        %mul3A_526 = vector.broadcast %mul3A_525 : f32 to vector<16xf32>
        %mul3A_527 = arith.mulf %mul3A_526, %add3A_523 : vector<16xf32>
        %sub3A_528 = arith.subf %add3A_524, %mul3A_527 : vector<16xf32>
        %max3A_529 = arith.constant 0.000000e+00 : f32
        %max3A_530 = vector.broadcast %max3A_529 : f32 to vector<16xf32>
        %max3A_531 = arith.maximumf %sub3A_528, %max3A_530 : vector<16xf32>
        %broadcast_in_dim3A_532 = vector.broadcast %add3A_510 : i32 to vector<16xi32>
        %add3A_533 = arith.addi %broadcast_in_dim3A_532, %iota3A : vector<16xi32>
        %lt3A_534 = arith.cmpf olt, %max3A_531, %select_n3A_507 : vector<16xf32>
        %select_n3A_535 = arith.select %lt3A_534, %add3A_533, %select_n3A_506 : vector<16xi1>, vector<16xi32>
        %select_n3A_536 = arith.select %lt3A_534, %max3A_531, %select_n3A_507 : vector<16xi1>, vector<16xf32>
        %min3A_537 = arith.minimumf %min3A_508, %max3A_531 : vector<16xf32>
        %lt3A_538 = vector.broadcast %scan3A_55 : f32 to vector<16xf32>
        %lt3A_539 = arith.cmpf olt, %min3A_537, %lt3A_538 : vector<16xf32>
        %all_reduce_population_count3A = tpu.all_reduce %lt3A_539 {dim = 0 : i64, kind = #tpu.reduction_kind<sum>} : vector<16xi1> -> vector<16xi32>
        %slice3A_540 = vector.extract_strided_slice %all_reduce_population_count3A {offsets = [0], sizes = [1], strides = [1]} : vector<16xi32> to vector<1xi32>
        %squeeze3A_541 = vector.extract %slice3A_540[0] : i32 from vector<1xi32>
        %gt3A = arith.constant 0 : i32
        %gt3A_542 = arith.cmpi sgt, %squeeze3A_541, %gt3A : i32
        %convert_element_type3A = arith.extui %gt3A_542 : i1 to i32
        %cond3A = arith.constant 0 : i32
        %cond3A_543 = arith.cmpi ne, %convert_element_type3A, %cond3A : i32
        %cond3A_544 = scf.if %cond3A_543 -> (i32) {
          %scan3A_545 = arith.constant 0 : i32
          %scan3A_546 = arith.constant 8 : i32
          %scan3A_547 = arith.addi %scan3A_545, %scan3A_546 : i32
          %scan3A_548 = arith.constant 1 : i32
          %scan3A_549 = scf.for %scan3A_551 = %scan3A_545 to %scan3A_547 step %scan3A_548 iter_args(%scan3A_552 = %scan3A_305) -> (i32)  : i32 {
            %mul3A_553 = arith.constant 16 : i32
            %mul3A_554 = arith.muli %scan3A_551, %mul3A_553 : i32
            %add3A_555 = arith.addi %mul3A_307, %mul3A_554 : i32
            %get3A_556 = arith.index_cast %add3A_555 : i32 to index
            %get3A_557 = tpu.vector_load %arg5[%get3A_556] {strides = array<i32>} : memref<16384xf32, #tpu.memory_space<vmem>>, vector<16xf32>,
            %get3A_558 = arith.index_cast %add3A_555 : i32 to index
            %get3A_559 = tpu.vector_load %arg6[%get3A_558] {strides = array<i32>} : memref<16384xf32, #tpu.memory_space<vmem>>, vector<16xf32>,
            %get3A_560 = arith.index_cast %add3A_555 : i32 to index
            %get3A_561 = tpu.vector_load %arg7[%get3A_560] {strides = array<i32>} : memref<16384xf32, #tpu.memory_space<vmem>>, vector<16xf32>,
            %get3A_562 = arith.index_cast %add3A_555 : i32 to index
            %get3A_563 = tpu.vector_load %arg14[%get3A_562] {strides = array<i32>} : memref<16384xf32, #tpu.memory_space<vmem>>, vector<16xf32>,
            %mul3A_564 = arith.mulf %get3A_557, %bitcast3A_101 : vector<16xf32>
            %mul3A_565 = arith.mulf %get3A_559, %bitcast3A_116 : vector<16xf32>
            %add3A_566 = arith.addf %mul3A_564, %mul3A_565 : vector<16xf32>
            %mul3A_567 = arith.mulf %get3A_561, %bitcast3A_131 : vector<16xf32>
            %add3A_568 = arith.addf %add3A_566, %mul3A_567 : vector<16xf32>
            %add3A_569 = arith.addf %add3A_88, %get3A_563 : vector<16xf32>
            %mul3A_570 = arith.constant 2.000000e+00 : f32
            %mul3A_571 = vector.broadcast %mul3A_570 : f32 to vector<16xf32>
            %mul3A_572 = arith.mulf %mul3A_571, %add3A_568 : vector<16xf32>
            %sub3A_573 = arith.subf %add3A_569, %mul3A_572 : vector<16xf32>
            %max3A_574 = arith.constant 0.000000e+00 : f32
            %max3A_575 = vector.broadcast %max3A_574 : f32 to vector<16xf32>
            %max3A_576 = arith.maximumf %sub3A_573, %max3A_575 : vector<16xf32>
            %broadcast_in_dim3A_577 = vector.broadcast %add3A_555 : i32 to vector<16xi32>
            %add3A_578 = arith.addi %broadcast_in_dim3A_577, %iota3A : vector<16xi32>
            %lt3A_579 = vector.broadcast %scan3A_55 : f32 to vector<16xf32>
            %lt3A_580 = arith.cmpf olt, %max3A_576, %lt3A_579 : vector<16xf32>
            %swap3A_581 = arith.index_cast %scan3A_552 : i32 to index
            %swap3A_582 = tpu.vector_load %arg12[%swap3A_581] masked %lt3A_580 {strides = array<i32>} : memref<16400xf32, #tpu.memory_space<vmem>>, vector<16xf32>, vector<16xi1>
            tpu.vector_store %arg12[%swap3A_581], %max3A_576 masked %lt3A_580 {strides = array<i32>} : memref<16400xf32, #tpu.memory_space<vmem>>, vector<16xf32>, vector<16xi1>
            %swap3A_583 = arith.index_cast %scan3A_552 : i32 to index
            %swap3A_584 = tpu.vector_load %arg13[%swap3A_583] masked %lt3A_580 {strides = array<i32>} : memref<16400xi32, #tpu.memory_space<vmem>>, vector<16xi32>, vector<16xi1>
            tpu.vector_store %arg13[%swap3A_583], %add3A_578 masked %lt3A_580 {strides = array<i32>} : memref<16400xi32, #tpu.memory_space<vmem>>, vector<16xi32>, vector<16xi1>
            %all_reduce_population_count3A_585 = tpu.all_reduce %lt3A_580 {dim = 0 : i64, kind = #tpu.reduction_kind<sum>} : vector<16xi1> -> vector<16xi32>
            %slice3A_586 = vector.extract_strided_slice %all_reduce_population_count3A_585 {offsets = [0], sizes = [1], strides = [1]} : vector<16xi32> to vector<1xi32>
            %squeeze3A_587 = vector.extract %slice3A_586[0] : i32 from vector<1xi32>
            %add3A_588 = arith.addi %scan3A_552, %squeeze3A_587 : i32
            scf.yield %add3A_588 : i32
          }
          %scan3A_550 = arith.constant 8 : i32
          scf.yield %scan3A_549 : i32
        } else {
          scf.yield %scan3A_305 : i32
        }
        scf.yield %select_n3A_536, %select_n3A_535, %cond3A_544 : vector<16xf32>, vector<16xi32>, i32
      }
      %scan3A_138 = arith.constant 128 : i32
      %xor3A = arith.constant 8 : i32
      %xor3A_139 = vector.broadcast %xor3A : i32 to vector<16xi32>
      %xor3A_140 = arith.xori %iota3A, %xor3A_139 : vector<16xi32>
      %lt3A_141 = arith.constant 0 : i32
      %lt3A_142 = vector.broadcast %lt3A_141 : i32 to vector<16xi32>
      %lt3A_143 = arith.cmpi slt, %xor3A_140, %lt3A_142 : vector<16xi32>
      %add3A_144 = arith.constant 16 : i32
      %add3A_145 = vector.broadcast %add3A_144 : i32 to vector<16xi32>
      %add3A_146 = arith.addi %xor3A_140, %add3A_145 : vector<16xi32>
      %select_n3A_147 = arith.select %lt3A_143, %add3A_146, %xor3A_140 : vector<16xi1>, vector<16xi32>
      %reshape3A = vector.shape_cast %select_n3A_147 : vector<16xi32> to vector<16x1xi32>
      %gather3A = vector.shape_cast %reshape3A : vector<16x1xi32> to vector<16xi32>
      %gather3A_148 = tpu.dynamic_gather %scan3A_137#0[%gather3A] in [0] : vector<16xf32>, vector<16xi32> -> vector<16xf32>
      %lt3A_149 = arith.constant 0 : i32
      %lt3A_150 = vector.broadcast %lt3A_149 : i32 to vector<16xi32>
      %lt3A_151 = arith.cmpi slt, %xor3A_140, %lt3A_150 : vector<16xi32>
      %add3A_152 = arith.constant 16 : i32
      %add3A_153 = vector.broadcast %add3A_152 : i32 to vector<16xi32>
      %add3A_154 = arith.addi %xor3A_140, %add3A_153 : vector<16xi32>
      %select_n3A_155 = arith.select %lt3A_151, %add3A_154, %xor3A_140 : vector<16xi1>, vector<16xi32>
      %reshape3A_156 = vector.shape_cast %select_n3A_155 : vector<16xi32> to vector<16x1xi32>
      %gather3A_157 = vector.shape_cast %reshape3A_156 : vector<16x1xi32> to vector<16xi32>
      %gather3A_158 = tpu.dynamic_gather %scan3A_137#1[%gather3A_157] in [0] : vector<16xi32>, vector<16xi32> -> vector<16xi32>
      %lt3A_159 = arith.cmpf olt, %gather3A_148, %scan3A_137#0 : vector<16xf32>
      %eq3A_160 = arith.cmpf oeq, %gather3A_148, %scan3A_137#0 : vector<16xf32>
      %lt3A_161 = arith.cmpi slt, %gather3A_158, %scan3A_137#1 : vector<16xi32>
      %and3A_162 = arith.andi %eq3A_160, %lt3A_161 : vector<16xi1>
      %or3A = arith.ori %lt3A_159, %and3A_162 : vector<16xi1>
      %select_n3A_163 = arith.select %or3A, %gather3A_148, %scan3A_137#0 : vector<16xi1>, vector<16xf32>
      %select_n3A_164 = arith.select %or3A, %gather3A_158, %scan3A_137#1 : vector<16xi1>, vector<16xi32>
      %xor3A_165 = arith.constant 4 : i32
      %xor3A_166 = vector.broadcast %xor3A_165 : i32 to vector<16xi32>
      %xor3A_167 = arith.xori %iota3A, %xor3A_166 : vector<16xi32>
      %lt3A_168 = arith.constant 0 : i32
      %lt3A_169 = vector.broadcast %lt3A_168 : i32 to vector<16xi32>
      %lt3A_170 = arith.cmpi slt, %xor3A_167, %lt3A_169 : vector<16xi32>
      %add3A_171 = arith.constant 16 : i32
      %add3A_172 = vector.broadcast %add3A_171 : i32 to vector<16xi32>
      %add3A_173 = arith.addi %xor3A_167, %add3A_172 : vector<16xi32>
      %select_n3A_174 = arith.select %lt3A_170, %add3A_173, %xor3A_167 : vector<16xi1>, vector<16xi32>
      %reshape3A_175 = vector.shape_cast %select_n3A_174 : vector<16xi32> to vector<16x1xi32>
      %gather3A_176 = vector.shape_cast %reshape3A_175 : vector<16x1xi32> to vector<16xi32>
      %gather3A_177 = tpu.dynamic_gather %select_n3A_163[%gather3A_176] in [0] : vector<16xf32>, vector<16xi32> -> vector<16xf32>
      %lt3A_178 = arith.constant 0 : i32
      %lt3A_179 = vector.broadcast %lt3A_178 : i32 to vector<16xi32>
      %lt3A_180 = arith.cmpi slt, %xor3A_167, %lt3A_179 : vector<16xi32>
      %add3A_181 = arith.constant 16 : i32
      %add3A_182 = vector.broadcast %add3A_181 : i32 to vector<16xi32>
      %add3A_183 = arith.addi %xor3A_167, %add3A_182 : vector<16xi32>
      %select_n3A_184 = arith.select %lt3A_180, %add3A_183, %xor3A_167 : vector<16xi1>, vector<16xi32>
      %reshape3A_185 = vector.shape_cast %select_n3A_184 : vector<16xi32> to vector<16x1xi32>
      %gather3A_186 = vector.shape_cast %reshape3A_185 : vector<16x1xi32> to vector<16xi32>
      %gather3A_187 = tpu.dynamic_gather %select_n3A_164[%gather3A_186] in [0] : vector<16xi32>, vector<16xi32> -> vector<16xi32>
      %lt3A_188 = arith.cmpf olt, %gather3A_177, %select_n3A_163 : vector<16xf32>
      %eq3A_189 = arith.cmpf oeq, %gather3A_177, %select_n3A_163 : vector<16xf32>
      %lt3A_190 = arith.cmpi slt, %gather3A_187, %select_n3A_164 : vector<16xi32>
      %and3A_191 = arith.andi %eq3A_189, %lt3A_190 : vector<16xi1>
      %or3A_192 = arith.ori %lt3A_188, %and3A_191 : vector<16xi1>
      %select_n3A_193 = arith.select %or3A_192, %gather3A_177, %select_n3A_163 : vector<16xi1>, vector<16xf32>
      %select_n3A_194 = arith.select %or3A_192, %gather3A_187, %select_n3A_164 : vector<16xi1>, vector<16xi32>
      %xor3A_195 = arith.constant 2 : i32
      %xor3A_196 = vector.broadcast %xor3A_195 : i32 to vector<16xi32>
      %xor3A_197 = arith.xori %iota3A, %xor3A_196 : vector<16xi32>
      %lt3A_198 = arith.constant 0 : i32
      %lt3A_199 = vector.broadcast %lt3A_198 : i32 to vector<16xi32>
      %lt3A_200 = arith.cmpi slt, %xor3A_197, %lt3A_199 : vector<16xi32>
      %add3A_201 = arith.constant 16 : i32
      %add3A_202 = vector.broadcast %add3A_201 : i32 to vector<16xi32>
      %add3A_203 = arith.addi %xor3A_197, %add3A_202 : vector<16xi32>
      %select_n3A_204 = arith.select %lt3A_200, %add3A_203, %xor3A_197 : vector<16xi1>, vector<16xi32>
      %reshape3A_205 = vector.shape_cast %select_n3A_204 : vector<16xi32> to vector<16x1xi32>
      %gather3A_206 = vector.shape_cast %reshape3A_205 : vector<16x1xi32> to vector<16xi32>
      %gather3A_207 = tpu.dynamic_gather %select_n3A_193[%gather3A_206] in [0] : vector<16xf32>, vector<16xi32> -> vector<16xf32>
      %lt3A_208 = arith.constant 0 : i32
      %lt3A_209 = vector.broadcast %lt3A_208 : i32 to vector<16xi32>
      %lt3A_210 = arith.cmpi slt, %xor3A_197, %lt3A_209 : vector<16xi32>
      %add3A_211 = arith.constant 16 : i32
      %add3A_212 = vector.broadcast %add3A_211 : i32 to vector<16xi32>
      %add3A_213 = arith.addi %xor3A_197, %add3A_212 : vector<16xi32>
      %select_n3A_214 = arith.select %lt3A_210, %add3A_213, %xor3A_197 : vector<16xi1>, vector<16xi32>
      %reshape3A_215 = vector.shape_cast %select_n3A_214 : vector<16xi32> to vector<16x1xi32>
      %gather3A_216 = vector.shape_cast %reshape3A_215 : vector<16x1xi32> to vector<16xi32>
      %gather3A_217 = tpu.dynamic_gather %select_n3A_194[%gather3A_216] in [0] : vector<16xi32>, vector<16xi32> -> vector<16xi32>
      %lt3A_218 = arith.cmpf olt, %gather3A_207, %select_n3A_193 : vector<16xf32>
      %eq3A_219 = arith.cmpf oeq, %gather3A_207, %select_n3A_193 : vector<16xf32>
      %lt3A_220 = arith.cmpi slt, %gather3A_217, %select_n3A_194 : vector<16xi32>
      %and3A_221 = arith.andi %eq3A_219, %lt3A_220 : vector<16xi1>
      %or3A_222 = arith.ori %lt3A_218, %and3A_221 : vector<16xi1>
      %select_n3A_223 = arith.select %or3A_222, %gather3A_207, %select_n3A_193 : vector<16xi1>, vector<16xf32>
      %select_n3A_224 = arith.select %or3A_222, %gather3A_217, %select_n3A_194 : vector<16xi1>, vector<16xi32>
      %xor3A_225 = arith.constant 1 : i32
      %xor3A_226 = vector.broadcast %xor3A_225 : i32 to vector<16xi32>
      %xor3A_227 = arith.xori %iota3A, %xor3A_226 : vector<16xi32>
      %lt3A_228 = arith.constant 0 : i32
      %lt3A_229 = vector.broadcast %lt3A_228 : i32 to vector<16xi32>
      %lt3A_230 = arith.cmpi slt, %xor3A_227, %lt3A_229 : vector<16xi32>
      %add3A_231 = arith.constant 16 : i32
      %add3A_232 = vector.broadcast %add3A_231 : i32 to vector<16xi32>
      %add3A_233 = arith.addi %xor3A_227, %add3A_232 : vector<16xi32>
      %select_n3A_234 = arith.select %lt3A_230, %add3A_233, %xor3A_227 : vector<16xi1>, vector<16xi32>
      %reshape3A_235 = vector.shape_cast %select_n3A_234 : vector<16xi32> to vector<16x1xi32>
      %gather3A_236 = vector.shape_cast %reshape3A_235 : vector<16x1xi32> to vector<16xi32>
      %gather3A_237 = tpu.dynamic_gather %select_n3A_223[%gather3A_236] in [0] : vector<16xf32>, vector<16xi32> -> vector<16xf32>
      %lt3A_238 = arith.constant 0 : i32
      %lt3A_239 = vector.broadcast %lt3A_238 : i32 to vector<16xi32>
      %lt3A_240 = arith.cmpi slt, %xor3A_227, %lt3A_239 : vector<16xi32>
      %add3A_241 = arith.constant 16 : i32
      %add3A_242 = vector.broadcast %add3A_241 : i32 to vector<16xi32>
      %add3A_243 = arith.addi %xor3A_227, %add3A_242 : vector<16xi32>
      %select_n3A_244 = arith.select %lt3A_240, %add3A_243, %xor3A_227 : vector<16xi1>, vector<16xi32>
      %reshape3A_245 = vector.shape_cast %select_n3A_244 : vector<16xi32> to vector<16x1xi32>
      %gather3A_246 = vector.shape_cast %reshape3A_245 : vector<16x1xi32> to vector<16xi32>
      %gather3A_247 = tpu.dynamic_gather %select_n3A_224[%gather3A_246] in [0] : vector<16xi32>, vector<16xi32> -> vector<16xi32>
      %lt3A_248 = arith.cmpf olt, %gather3A_237, %select_n3A_223 : vector<16xf32>
      %eq3A_249 = arith.cmpf oeq, %gather3A_237, %select_n3A_223 : vector<16xf32>
      %lt3A_250 = arith.cmpi slt, %gather3A_247, %select_n3A_224 : vector<16xi32>
      %and3A_251 = arith.andi %eq3A_249, %lt3A_250 : vector<16xi1>
      %or3A_252 = arith.ori %lt3A_248, %and3A_251 : vector<16xi1>
      %select_n3A_253 = arith.select %or3A_252, %gather3A_237, %select_n3A_223 : vector<16xi1>, vector<16xf32>
      %select_n3A_254 = arith.select %or3A_252, %gather3A_247, %select_n3A_224 : vector<16xi1>, vector<16xi32>
      %mul3A_255 = arith.constant 32 : i32
      %mul3A_256 = arith.muli %scan3A_70, %mul3A_255 : i32
      %swap3A = arith.index_cast %mul3A_256 : i32 to index
      %swap3A_257 = tpu.vector_load %arg11[%swap3A] {strides = array<i32>} : memref<4096xi32, #tpu.memory_space<vmem>>, vector<16xi32>,
      tpu.vector_store %arg11[%swap3A], %select_n3A_254 {strides = array<i32>} : memref<4096xi32, #tpu.memory_space<vmem>>, vector<16xi32>,
      %mul3A_258 = arith.constant 32 : i32
      %mul3A_259 = arith.muli %scan3A_70, %mul3A_258 : i32
      %add3A_260 = arith.constant 16 : i32
      %add3A_261 = arith.addi %mul3A_259, %add3A_260 : i32
      %swap3A_262 = arith.index_cast %add3A_261 : i32 to index
      %swap3A_263 = tpu.vector_load %arg11[%swap3A_262] {strides = array<i32>} : memref<4096xi32, #tpu.memory_space<vmem>>, vector<16xi32>,
      tpu.vector_store %arg11[%swap3A_262], %select_n3A_254 {strides = array<i32>} : memref<4096xi32, #tpu.memory_space<vmem>>, vector<16xi32>,
      %add3A_264 = arith.constant 15 : i32
      %add3A_265 = arith.addi %scan3A_137#2, %add3A_264 : i32
      %jit3A_266 = arith.constant 16 : i32
      %div3A_267 = arith.divsi %add3A_265, %jit3A_266 : i32
      %sign3A_268 = arith.constant 0 : i32
      %sign3A_269 = arith.cmpi sgt, %add3A_265, %sign3A_268 : i32
      %sign3A_270 = arith.extui %sign3A_269 : i1 to i32
      %sign3A_271 = arith.constant 0 : i32
      %sign3A_272 = arith.cmpi slt, %add3A_265, %sign3A_271 : i32
      %sign3A_273 = arith.extui %sign3A_272 : i1 to i32
      %sign3A_274 = arith.subi %sign3A_270, %sign3A_273 : i32
      %sign3A_275 = arith.constant 0 : i32
      %sign3A_276 = arith.cmpi sgt, %jit3A_266, %sign3A_275 : i32
      %sign3A_277 = arith.extui %sign3A_276 : i1 to i32
      %sign3A_278 = arith.constant 0 : i32
      %sign3A_279 = arith.cmpi slt, %jit3A_266, %sign3A_278 : i32
      %sign3A_280 = arith.extui %sign3A_279 : i1 to i32
      %sign3A_281 = arith.subi %sign3A_277, %sign3A_280 : i32
      %ne3A_282 = arith.cmpi ne, %sign3A_274, %sign3A_281 : i32
      %rem3A_283 = arith.remsi %add3A_265, %jit3A_266 : i32
      %ne3A_284 = arith.constant 0 : i32
      %ne3A_285 = arith.cmpi ne, %rem3A_283, %ne3A_284 : i32
      %and3A_286 = arith.andi %ne3A_282, %ne3A_285 : i1
      %sub3A_287 = arith.constant 1 : i32
      %sub3A_288 = arith.subi %div3A_267, %sub3A_287 : i32
      %select_n3A_289 = arith.select %and3A_286, %sub3A_288, %div3A_267 : i32
      %while3A = arith.constant 0 : i32
      %while3A_290 = arith.constant 0 : i32
      %while3A_291 = arith.subi %select_n3A_289, %while3A : i32
      %while3A_292 = arith.addi %while3A, %while3A_291 : i32
      %while3A_293 = arith.constant 1 : i32
      %while3A_294 = arith.divsi %while3A_291, %while3A_293 : i32
      %while3A_295 = arith.muli %while3A_294, %while3A_293 : i32
      %while3A_296 = arith.addi %while3A, %while3A_295 : i32
      %while3A_297 = arith.constant 1 : i32
      %while3A_298 = scf.for %while3A_302 = %while3A to %while3A_296 step %while3A_297 iter_args(%while3A_303 = %while3A_290) -> (i32)  : i32 {
        %mul3A_304 = arith.constant 16 : i32
        %mul3A_305 = arith.muli %while3A_302, %mul3A_304 : i32
        %get3A_306 = arith.index_cast %mul3A_305 : i32 to index
        %get3A_307 = tpu.vector_load %arg12[%get3A_306] {strides = array<i32>} : memref<16400xf32, #tpu.memory_space<vmem>>, vector<16xf32>,
        %mul3A_308 = arith.constant 16 : i32
        %mul3A_309 = arith.muli %while3A_302, %mul3A_308 : i32
        %get3A_310 = arith.index_cast %mul3A_309 : i32 to index
        %get3A_311 = tpu.vector_load %arg13[%get3A_310] {strides = array<i32>} : memref<16400xi32, #tpu.memory_space<vmem>>, vector<16xi32>,
        %mul3A_312 = arith.constant 16 : i32
        %mul3A_313 = arith.muli %while3A_302, %mul3A_312 : i32
        %broadcast_in_dim3A_314 = vector.broadcast %mul3A_313 : i32 to vector<16xi32>
        %add3A_315 = arith.addi %broadcast_in_dim3A_314, %iota3A : vector<16xi32>
        %lt3A_316 = vector.broadcast %scan3A_137#2 : i32 to vector<16xi32>
        %lt3A_317 = arith.cmpi slt, %add3A_315, %lt3A_316 : vector<16xi32>
        %jit3A_318 = arith.constant 0x7F800000 : f32
        %broadcast_in_dim3A_319 = vector.broadcast %jit3A_318 : f32 to vector<16xf32>
        %select_n3A_320 = arith.select %lt3A_317, %get3A_307, %broadcast_in_dim3A_319 : vector<16xi1>, vector<16xf32>
        %while3A_321 = arith.constant 0 : i32
        %while3A_322 = arith.subi %select_n3A_289, %while3A_321 : i32
        %while3A_323 = arith.addi %while3A_321, %while3A_322 : i32
        %while3A_324 = arith.constant 1 : i32
        %while3A_325 = arith.divsi %while3A_322, %while3A_324 : i32
        %while3A_326 = arith.muli %while3A_325, %while3A_324 : i32
        %while3A_327 = arith.addi %while3A_321, %while3A_326 : i32
        %while3A_328 = arith.constant 1 : i32
        %while3A_329 = scf.for %while3A_341 = %while3A_321 to %while3A_327 step %while3A_328 iter_args(%while3A_342 = %broadcast_in_dim3A_48) -> (vector<16xi32>)  : i32 {
          %mul3A_343 = arith.constant 16 : i32
          %mul3A_344 = arith.muli %while3A_341, %mul3A_343 : i32
          %get3A_345 = arith.index_cast %mul3A_344 : i32 to index
          %get3A_346 = tpu.vector_load %arg12[%get3A_345] {strides = array<i32>} : memref<16400xf32, #tpu.memory_space<vmem>>, vector<16xf32>,
          %mul3A_347 = arith.constant 16 : i32
          %mul3A_348 = arith.muli %while3A_341, %mul3A_347 : i32
          %get3A_349 = arith.index_cast %mul3A_348 : i32 to index
          %get3A_350 = tpu.vector_load %arg13[%get3A_349] {strides = array<i32>} : memref<16400xi32, #tpu.memory_space<vmem>>, vector<16xi32>,
          %mul3A_351 = arith.constant 16 : i32
          %mul3A_352 = arith.muli %while3A_341, %mul3A_351 : i32
          %broadcast_in_dim3A_353 = vector.broadcast %mul3A_352 : i32 to vector<16xi32>
          %add3A_354 = arith.addi %broadcast_in_dim3A_353, %iota3A : vector<16xi32>
          %lt3A_355 = vector.broadcast %scan3A_137#2 : i32 to vector<16xi32>
          %lt3A_356 = arith.cmpi slt, %add3A_354, %lt3A_355 : vector<16xi32>
          %jit3A_357 = arith.constant 0x7F800000 : f32
          %broadcast_in_dim3A_358 = vector.broadcast %jit3A_357 : f32 to vector<16xf32>
          %select_n3A_359 = arith.select %lt3A_356, %get3A_346, %broadcast_in_dim3A_358 : vector<16xi1>, vector<16xf32>
          %scan3A_360 = arith.constant 0 : i32
          %scan3A_361 = arith.constant 16 : i32
          %scan3A_362 = arith.addi %scan3A_360, %scan3A_361 : i32
          %scan3A_363 = arith.constant 1 : i32
          %scan3A_364 = scf.for %scan3A_366 = %scan3A_360 to %scan3A_362 step %scan3A_363 iter_args(%scan3A_367 = %while3A_342) -> (vector<16xi32>)  : i32 {
            %broadcast_in_dim3A_368 = arith.constant 0 : i32
            %broadcast_in_dim3A_369 = vector.broadcast %broadcast_in_dim3A_368 : i32 to vector<16xi32>
            %add3A_370 = vector.broadcast %scan3A_366 : i32 to vector<16xi32>
            %add3A_371 = arith.addi %broadcast_in_dim3A_369, %add3A_370 : vector<16xi32>
            %lt3A_372 = arith.constant 0 : i32
            %lt3A_373 = vector.broadcast %lt3A_372 : i32 to vector<16xi32>
            %lt3A_374 = arith.cmpi slt, %add3A_371, %lt3A_373 : vector<16xi32>
            %add3A_375 = arith.constant 16 : i32
            %add3A_376 = vector.broadcast %add3A_375 : i32 to vector<16xi32>
            %add3A_377 = arith.addi %add3A_371, %add3A_376 : vector<16xi32>
            %select_n3A_378 = arith.select %lt3A_374, %add3A_377, %add3A_371 : vector<16xi1>, vector<16xi32>
            %reshape3A_379 = vector.shape_cast %select_n3A_378 : vector<16xi32> to vector<16x1xi32>
            %gather3A_380 = vector.shape_cast %reshape3A_379 : vector<16x1xi32> to vector<16xi32>
            %gather3A_381 = tpu.dynamic_gather %select_n3A_359[%gather3A_380] in [0] : vector<16xf32>, vector<16xi32> -> vector<16xf32>
            %lt3A_382 = arith.constant 0 : i32
            %lt3A_383 = vector.broadcast %lt3A_382 : i32 to vector<16xi32>
            %lt3A_384 = arith.cmpi slt, %add3A_371, %lt3A_383 : vector<16xi32>
            %add3A_385 = arith.constant 16 : i32
            %add3A_386 = vector.broadcast %add3A_385 : i32 to vector<16xi32>
            %add3A_387 = arith.addi %add3A_371, %add3A_386 : vector<16xi32>
            %select_n3A_388 = arith.select %lt3A_384, %add3A_387, %add3A_371 : vector<16xi1>, vector<16xi32>
            %reshape3A_389 = vector.shape_cast %select_n3A_388 : vector<16xi32> to vector<16x1xi32>
            %gather3A_390 = vector.shape_cast %reshape3A_389 : vector<16x1xi32> to vector<16xi32>
            %gather3A_391 = tpu.dynamic_gather %get3A_350[%gather3A_390] in [0] : vector<16xi32>, vector<16xi32> -> vector<16xi32>
            %lt3A_392 = arith.cmpf olt, %gather3A_381, %select_n3A_320 : vector<16xf32>
            %eq3A_393 = arith.cmpf oeq, %gather3A_381, %select_n3A_320 : vector<16xf32>
            %lt3A_394 = arith.cmpi slt, %gather3A_391, %get3A_311 : vector<16xi32>
            %and3A_395 = arith.andi %eq3A_393, %lt3A_394 : vector<16xi1>
            %or3A_396 = arith.ori %lt3A_392, %and3A_395 : vector<16xi1>
            %jit3A_397 = arith.constant 1 : i32
            %jit3A_398 = arith.constant 0 : i32
            %broadcast_in_dim3A_399 = vector.broadcast %jit3A_397 : i32 to vector<16xi32>
            %broadcast_in_dim3A_400 = vector.broadcast %jit3A_398 : i32 to vector<16xi32>
            %select_n3A_401 = arith.select %or3A_396, %broadcast_in_dim3A_399, %broadcast_in_dim3A_400 : vector<16xi1>, vector<16xi32>
            %add3A_402 = arith.addi %scan3A_367, %select_n3A_401 : vector<16xi32>
            scf.yield %add3A_402 : vector<16xi32>
          }
          %scan3A_365 = arith.constant 16 : i32
          scf.yield %scan3A_364 : vector<16xi32>
        }
        %while3A_330 = arith.constant 1 : i32
        %while3A_331 = scf.for %while3A_341 = %while3A_327 to %while3A_323 step %while3A_330 iter_args(%while3A_342 = %while3A_329) -> (vector<16xi32>)  : i32 {
          %mul3A_343 = arith.constant 16 : i32
          %mul3A_344 = arith.muli %while3A_341, %mul3A_343 : i32
          %get3A_345 = arith.index_cast %mul3A_344 : i32 to index
          %get3A_346 = tpu.vector_load %arg12[%get3A_345] {strides = array<i32>} : memref<16400xf32, #tpu.memory_space<vmem>>, vector<16xf32>,
          %mul3A_347 = arith.constant 16 : i32
          %mul3A_348 = arith.muli %while3A_341, %mul3A_347 : i32
          %get3A_349 = arith.index_cast %mul3A_348 : i32 to index
          %get3A_350 = tpu.vector_load %arg13[%get3A_349] {strides = array<i32>} : memref<16400xi32, #tpu.memory_space<vmem>>, vector<16xi32>,
          %mul3A_351 = arith.constant 16 : i32
          %mul3A_352 = arith.muli %while3A_341, %mul3A_351 : i32
          %broadcast_in_dim3A_353 = vector.broadcast %mul3A_352 : i32 to vector<16xi32>
          %add3A_354 = arith.addi %broadcast_in_dim3A_353, %iota3A : vector<16xi32>
          %lt3A_355 = vector.broadcast %scan3A_137#2 : i32 to vector<16xi32>
          %lt3A_356 = arith.cmpi slt, %add3A_354, %lt3A_355 : vector<16xi32>
          %jit3A_357 = arith.constant 0x7F800000 : f32
          %broadcast_in_dim3A_358 = vector.broadcast %jit3A_357 : f32 to vector<16xf32>
          %select_n3A_359 = arith.select %lt3A_356, %get3A_346, %broadcast_in_dim3A_358 : vector<16xi1>, vector<16xf32>
          %scan3A_360 = arith.constant 0 : i32
          %scan3A_361 = arith.constant 16 : i32
          %scan3A_362 = arith.addi %scan3A_360, %scan3A_361 : i32
          %scan3A_363 = arith.constant 1 : i32
          %scan3A_364 = scf.for %scan3A_366 = %scan3A_360 to %scan3A_362 step %scan3A_363 iter_args(%scan3A_367 = %while3A_342) -> (vector<16xi32>)  : i32 {
            %broadcast_in_dim3A_368 = arith.constant 0 : i32
            %broadcast_in_dim3A_369 = vector.broadcast %broadcast_in_dim3A_368 : i32 to vector<16xi32>
            %add3A_370 = vector.broadcast %scan3A_366 : i32 to vector<16xi32>
            %add3A_371 = arith.addi %broadcast_in_dim3A_369, %add3A_370 : vector<16xi32>
            %lt3A_372 = arith.constant 0 : i32
            %lt3A_373 = vector.broadcast %lt3A_372 : i32 to vector<16xi32>
            %lt3A_374 = arith.cmpi slt, %add3A_371, %lt3A_373 : vector<16xi32>
            %add3A_375 = arith.constant 16 : i32
            %add3A_376 = vector.broadcast %add3A_375 : i32 to vector<16xi32>
            %add3A_377 = arith.addi %add3A_371, %add3A_376 : vector<16xi32>
            %select_n3A_378 = arith.select %lt3A_374, %add3A_377, %add3A_371 : vector<16xi1>, vector<16xi32>
            %reshape3A_379 = vector.shape_cast %select_n3A_378 : vector<16xi32> to vector<16x1xi32>
            %gather3A_380 = vector.shape_cast %reshape3A_379 : vector<16x1xi32> to vector<16xi32>
            %gather3A_381 = tpu.dynamic_gather %select_n3A_359[%gather3A_380] in [0] : vector<16xf32>, vector<16xi32> -> vector<16xf32>
            %lt3A_382 = arith.constant 0 : i32
            %lt3A_383 = vector.broadcast %lt3A_382 : i32 to vector<16xi32>
            %lt3A_384 = arith.cmpi slt, %add3A_371, %lt3A_383 : vector<16xi32>
            %add3A_385 = arith.constant 16 : i32
            %add3A_386 = vector.broadcast %add3A_385 : i32 to vector<16xi32>
            %add3A_387 = arith.addi %add3A_371, %add3A_386 : vector<16xi32>
            %select_n3A_388 = arith.select %lt3A_384, %add3A_387, %add3A_371 : vector<16xi1>, vector<16xi32>
            %reshape3A_389 = vector.shape_cast %select_n3A_388 : vector<16xi32> to vector<16x1xi32>
            %gather3A_390 = vector.shape_cast %reshape3A_389 : vector<16x1xi32> to vector<16xi32>
            %gather3A_391 = tpu.dynamic_gather %get3A_350[%gather3A_390] in [0] : vector<16xi32>, vector<16xi32> -> vector<16xi32>
            %lt3A_392 = arith.cmpf olt, %gather3A_381, %select_n3A_320 : vector<16xf32>
            %eq3A_393 = arith.cmpf oeq, %gather3A_381, %select_n3A_320 : vector<16xf32>
            %lt3A_394 = arith.cmpi slt, %gather3A_391, %get3A_311 : vector<16xi32>
            %and3A_395 = arith.andi %eq3A_393, %lt3A_394 : vector<16xi1>
            %or3A_396 = arith.ori %lt3A_392, %and3A_395 : vector<16xi1>
            %jit3A_397 = arith.constant 1 : i32
            %jit3A_398 = arith.constant 0 : i32
            %broadcast_in_dim3A_399 = vector.broadcast %jit3A_397 : i32 to vector<16xi32>
            %broadcast_in_dim3A_400 = vector.broadcast %jit3A_398 : i32 to vector<16xi32>
            %select_n3A_401 = arith.select %or3A_396, %broadcast_in_dim3A_399, %broadcast_in_dim3A_400 : vector<16xi1>, vector<16xi32>
            %add3A_402 = arith.addi %scan3A_367, %select_n3A_401 : vector<16xi32>
            scf.yield %add3A_402 : vector<16xi32>
          }
          %scan3A_365 = arith.constant 16 : i32
          scf.yield %scan3A_364 : vector<16xi32>
        }
        %lt3A_332 = arith.constant 32 : i32
        %lt3A_333 = vector.broadcast %lt3A_332 : i32 to vector<16xi32>
        %lt3A_334 = arith.cmpi slt, %while3A_331, %lt3A_333 : vector<16xi32>
        %and3A_335 = arith.andi %lt3A_317, %lt3A_334 : vector<16xi1>
        %min3A = arith.constant 31 : i32
        %min3A_336 = vector.broadcast %min3A : i32 to vector<16xi32>
        %min3A_337 = arith.minsi %while3A_331, %min3A_336 : vector<16xi32>
        %mul3A_338 = arith.constant 32 : i32
        %mul3A_339 = arith.muli %scan3A_70, %mul3A_338 : i32
        %scatter3A = tpu.memref_slice %arg11[%mul3A_339] : memref<4096xi32, #tpu.memory_space<vmem>> -> memref<32xi32, #tpu.memory_space<vmem>>
        tpu.vector_store_idx %scatter3A[%min3A_337], %get3A_311 masked %and3A_335 : memref<32xi32, #tpu.memory_space<vmem>>[vector<16xi32>], vector<16xi32>, vector<16xi1>
        %while3A_340 = arith.constant 0 : i32
        scf.yield %while3A_340 : i32
      }
      %while3A_299 = arith.constant 1 : i32
      %while3A_300 = scf.for %while3A_302 = %while3A_296 to %while3A_292 step %while3A_299 iter_args(%while3A_303 = %while3A_298) -> (i32)  : i32 {
        %mul3A_304 = arith.constant 16 : i32
        %mul3A_305 = arith.muli %while3A_302, %mul3A_304 : i32
        %get3A_306 = arith.index_cast %mul3A_305 : i32 to index
        %get3A_307 = tpu.vector_load %arg12[%get3A_306] {strides = array<i32>} : memref<16400xf32, #tpu.memory_space<vmem>>, vector<16xf32>,
        %mul3A_308 = arith.constant 16 : i32
        %mul3A_309 = arith.muli %while3A_302, %mul3A_308 : i32
        %get3A_310 = arith.index_cast %mul3A_309 : i32 to index
        %get3A_311 = tpu.vector_load %arg13[%get3A_310] {strides = array<i32>} : memref<16400xi32, #tpu.memory_space<vmem>>, vector<16xi32>,
        %mul3A_312 = arith.constant 16 : i32
        %mul3A_313 = arith.muli %while3A_302, %mul3A_312 : i32
        %broadcast_in_dim3A_314 = vector.broadcast %mul3A_313 : i32 to vector<16xi32>
        %add3A_315 = arith.addi %broadcast_in_dim3A_314, %iota3A : vector<16xi32>
        %lt3A_316 = vector.broadcast %scan3A_137#2 : i32 to vector<16xi32>
        %lt3A_317 = arith.cmpi slt, %add3A_315, %lt3A_316 : vector<16xi32>
        %jit3A_318 = arith.constant 0x7F800000 : f32
        %broadcast_in_dim3A_319 = vector.broadcast %jit3A_318 : f32 to vector<16xf32>
        %select_n3A_320 = arith.select %lt3A_317, %get3A_307, %broadcast_in_dim3A_319 : vector<16xi1>, vector<16xf32>
        %while3A_321 = arith.constant 0 : i32
        %while3A_322 = arith.subi %select_n3A_289, %while3A_321 : i32
        %while3A_323 = arith.addi %while3A_321, %while3A_322 : i32
        %while3A_324 = arith.constant 1 : i32
        %while3A_325 = arith.divsi %while3A_322, %while3A_324 : i32
        %while3A_326 = arith.muli %while3A_325, %while3A_324 : i32
        %while3A_327 = arith.addi %while3A_321, %while3A_326 : i32
        %while3A_328 = arith.constant 1 : i32
        %while3A_329 = scf.for %while3A_341 = %while3A_321 to %while3A_327 step %while3A_328 iter_args(%while3A_342 = %broadcast_in_dim3A_48) -> (vector<16xi32>)  : i32 {
          %mul3A_343 = arith.constant 16 : i32
          %mul3A_344 = arith.muli %while3A_341, %mul3A_343 : i32
          %get3A_345 = arith.index_cast %mul3A_344 : i32 to index
          %get3A_346 = tpu.vector_load %arg12[%get3A_345] {strides = array<i32>} : memref<16400xf32, #tpu.memory_space<vmem>>, vector<16xf32>,
          %mul3A_347 = arith.constant 16 : i32
          %mul3A_348 = arith.muli %while3A_341, %mul3A_347 : i32
          %get3A_349 = arith.index_cast %mul3A_348 : i32 to index
          %get3A_350 = tpu.vector_load %arg13[%get3A_349] {strides = array<i32>} : memref<16400xi32, #tpu.memory_space<vmem>>, vector<16xi32>,
          %mul3A_351 = arith.constant 16 : i32
          %mul3A_352 = arith.muli %while3A_341, %mul3A_351 : i32
          %broadcast_in_dim3A_353 = vector.broadcast %mul3A_352 : i32 to vector<16xi32>
          %add3A_354 = arith.addi %broadcast_in_dim3A_353, %iota3A : vector<16xi32>
          %lt3A_355 = vector.broadcast %scan3A_137#2 : i32 to vector<16xi32>
          %lt3A_356 = arith.cmpi slt, %add3A_354, %lt3A_355 : vector<16xi32>
          %jit3A_357 = arith.constant 0x7F800000 : f32
          %broadcast_in_dim3A_358 = vector.broadcast %jit3A_357 : f32 to vector<16xf32>
          %select_n3A_359 = arith.select %lt3A_356, %get3A_346, %broadcast_in_dim3A_358 : vector<16xi1>, vector<16xf32>
          %scan3A_360 = arith.constant 0 : i32
          %scan3A_361 = arith.constant 16 : i32
          %scan3A_362 = arith.addi %scan3A_360, %scan3A_361 : i32
          %scan3A_363 = arith.constant 1 : i32
          %scan3A_364 = scf.for %scan3A_366 = %scan3A_360 to %scan3A_362 step %scan3A_363 iter_args(%scan3A_367 = %while3A_342) -> (vector<16xi32>)  : i32 {
            %broadcast_in_dim3A_368 = arith.constant 0 : i32
            %broadcast_in_dim3A_369 = vector.broadcast %broadcast_in_dim3A_368 : i32 to vector<16xi32>
            %add3A_370 = vector.broadcast %scan3A_366 : i32 to vector<16xi32>
            %add3A_371 = arith.addi %broadcast_in_dim3A_369, %add3A_370 : vector<16xi32>
            %lt3A_372 = arith.constant 0 : i32
            %lt3A_373 = vector.broadcast %lt3A_372 : i32 to vector<16xi32>
            %lt3A_374 = arith.cmpi slt, %add3A_371, %lt3A_373 : vector<16xi32>
            %add3A_375 = arith.constant 16 : i32
            %add3A_376 = vector.broadcast %add3A_375 : i32 to vector<16xi32>
            %add3A_377 = arith.addi %add3A_371, %add3A_376 : vector<16xi32>
            %select_n3A_378 = arith.select %lt3A_374, %add3A_377, %add3A_371 : vector<16xi1>, vector<16xi32>
            %reshape3A_379 = vector.shape_cast %select_n3A_378 : vector<16xi32> to vector<16x1xi32>
            %gather3A_380 = vector.shape_cast %reshape3A_379 : vector<16x1xi32> to vector<16xi32>
            %gather3A_381 = tpu.dynamic_gather %select_n3A_359[%gather3A_380] in [0] : vector<16xf32>, vector<16xi32> -> vector<16xf32>
            %lt3A_382 = arith.constant 0 : i32
            %lt3A_383 = vector.broadcast %lt3A_382 : i32 to vector<16xi32>
            %lt3A_384 = arith.cmpi slt, %add3A_371, %lt3A_383 : vector<16xi32>
            %add3A_385 = arith.constant 16 : i32
            %add3A_386 = vector.broadcast %add3A_385 : i32 to vector<16xi32>
            %add3A_387 = arith.addi %add3A_371, %add3A_386 : vector<16xi32>
            %select_n3A_388 = arith.select %lt3A_384, %add3A_387, %add3A_371 : vector<16xi1>, vector<16xi32>
            %reshape3A_389 = vector.shape_cast %select_n3A_388 : vector<16xi32> to vector<16x1xi32>
            %gather3A_390 = vector.shape_cast %reshape3A_389 : vector<16x1xi32> to vector<16xi32>
            %gather3A_391 = tpu.dynamic_gather %get3A_350[%gather3A_390] in [0] : vector<16xi32>, vector<16xi32> -> vector<16xi32>
            %lt3A_392 = arith.cmpf olt, %gather3A_381, %select_n3A_320 : vector<16xf32>
            %eq3A_393 = arith.cmpf oeq, %gather3A_381, %select_n3A_320 : vector<16xf32>
            %lt3A_394 = arith.cmpi slt, %gather3A_391, %get3A_311 : vector<16xi32>
            %and3A_395 = arith.andi %eq3A_393, %lt3A_394 : vector<16xi1>
            %or3A_396 = arith.ori %lt3A_392, %and3A_395 : vector<16xi1>
            %jit3A_397 = arith.constant 1 : i32
            %jit3A_398 = arith.constant 0 : i32
            %broadcast_in_dim3A_399 = vector.broadcast %jit3A_397 : i32 to vector<16xi32>
            %broadcast_in_dim3A_400 = vector.broadcast %jit3A_398 : i32 to vector<16xi32>
            %select_n3A_401 = arith.select %or3A_396, %broadcast_in_dim3A_399, %broadcast_in_dim3A_400 : vector<16xi1>, vector<16xi32>
            %add3A_402 = arith.addi %scan3A_367, %select_n3A_401 : vector<16xi32>
            scf.yield %add3A_402 : vector<16xi32>
          }
          %scan3A_365 = arith.constant 16 : i32
          scf.yield %scan3A_364 : vector<16xi32>
        }
        %while3A_330 = arith.constant 1 : i32
        %while3A_331 = scf.for %while3A_341 = %while3A_327 to %while3A_323 step %while3A_330 iter_args(%while3A_342 = %while3A_329) -> (vector<16xi32>)  : i32 {
          %mul3A_343 = arith.constant 16 : i32
          %mul3A_344 = arith.muli %while3A_341, %mul3A_343 : i32
          %get3A_345 = arith.index_cast %mul3A_344 : i32 to index
          %get3A_346 = tpu.vector_load %arg12[%get3A_345] {strides = array<i32>} : memref<16400xf32, #tpu.memory_space<vmem>>, vector<16xf32>,
          %mul3A_347 = arith.constant 16 : i32
          %mul3A_348 = arith.muli %while3A_341, %mul3A_347 : i32
          %get3A_349 = arith.index_cast %mul3A_348 : i32 to index
          %get3A_350 = tpu.vector_load %arg13[%get3A_349] {strides = array<i32>} : memref<16400xi32, #tpu.memory_space<vmem>>, vector<16xi32>,
          %mul3A_351 = arith.constant 16 : i32
          %mul3A_352 = arith.muli %while3A_341, %mul3A_351 : i32
          %broadcast_in_dim3A_353 = vector.broadcast %mul3A_352 : i32 to vector<16xi32>
          %add3A_354 = arith.addi %broadcast_in_dim3A_353, %iota3A : vector<16xi32>
          %lt3A_355 = vector.broadcast %scan3A_137#2 : i32 to vector<16xi32>
          %lt3A_356 = arith.cmpi slt, %add3A_354, %lt3A_355 : vector<16xi32>
          %jit3A_357 = arith.constant 0x7F800000 : f32
          %broadcast_in_dim3A_358 = vector.broadcast %jit3A_357 : f32 to vector<16xf32>
          %select_n3A_359 = arith.select %lt3A_356, %get3A_346, %broadcast_in_dim3A_358 : vector<16xi1>, vector<16xf32>
          %scan3A_360 = arith.constant 0 : i32
          %scan3A_361 = arith.constant 16 : i32
          %scan3A_362 = arith.addi %scan3A_360, %scan3A_361 : i32
          %scan3A_363 = arith.constant 1 : i32
          %scan3A_364 = scf.for %scan3A_366 = %scan3A_360 to %scan3A_362 step %scan3A_363 iter_args(%scan3A_367 = %while3A_342) -> (vector<16xi32>)  : i32 {
            %broadcast_in_dim3A_368 = arith.constant 0 : i32
            %broadcast_in_dim3A_369 = vector.broadcast %broadcast_in_dim3A_368 : i32 to vector<16xi32>
            %add3A_370 = vector.broadcast %scan3A_366 : i32 to vector<16xi32>
            %add3A_371 = arith.addi %broadcast_in_dim3A_369, %add3A_370 : vector<16xi32>
            %lt3A_372 = arith.constant 0 : i32
            %lt3A_373 = vector.broadcast %lt3A_372 : i32 to vector<16xi32>
            %lt3A_374 = arith.cmpi slt, %add3A_371, %lt3A_373 : vector<16xi32>
            %add3A_375 = arith.constant 16 : i32
            %add3A_376 = vector.broadcast %add3A_375 : i32 to vector<16xi32>
            %add3A_377 = arith.addi %add3A_371, %add3A_376 : vector<16xi32>
            %select_n3A_378 = arith.select %lt3A_374, %add3A_377, %add3A_371 : vector<16xi1>, vector<16xi32>
            %reshape3A_379 = vector.shape_cast %select_n3A_378 : vector<16xi32> to vector<16x1xi32>
            %gather3A_380 = vector.shape_cast %reshape3A_379 : vector<16x1xi32> to vector<16xi32>
            %gather3A_381 = tpu.dynamic_gather %select_n3A_359[%gather3A_380] in [0] : vector<16xf32>, vector<16xi32> -> vector<16xf32>
            %lt3A_382 = arith.constant 0 : i32
            %lt3A_383 = vector.broadcast %lt3A_382 : i32 to vector<16xi32>
            %lt3A_384 = arith.cmpi slt, %add3A_371, %lt3A_383 : vector<16xi32>
            %add3A_385 = arith.constant 16 : i32
            %add3A_386 = vector.broadcast %add3A_385 : i32 to vector<16xi32>
            %add3A_387 = arith.addi %add3A_371, %add3A_386 : vector<16xi32>
            %select_n3A_388 = arith.select %lt3A_384, %add3A_387, %add3A_371 : vector<16xi1>, vector<16xi32>
            %reshape3A_389 = vector.shape_cast %select_n3A_388 : vector<16xi32> to vector<16x1xi32>
            %gather3A_390 = vector.shape_cast %reshape3A_389 : vector<16x1xi32> to vector<16xi32>
            %gather3A_391 = tpu.dynamic_gather %get3A_350[%gather3A_390] in [0] : vector<16xi32>, vector<16xi32> -> vector<16xi32>
            %lt3A_392 = arith.cmpf olt, %gather3A_381, %select_n3A_320 : vector<16xf32>
            %eq3A_393 = arith.cmpf oeq, %gather3A_381, %select_n3A_320 : vector<16xf32>
            %lt3A_394 = arith.cmpi slt, %gather3A_391, %get3A_311 : vector<16xi32>
            %and3A_395 = arith.andi %eq3A_393, %lt3A_394 : vector<16xi1>
            %or3A_396 = arith.ori %lt3A_392, %and3A_395 : vector<16xi1>
            %jit3A_397 = arith.constant 1 : i32
            %jit3A_398 = arith.constant 0 : i32
            %broadcast_in_dim3A_399 = vector.broadcast %jit3A_397 : i32 to vector<16xi32>
            %broadcast_in_dim3A_400 = vector.broadcast %jit3A_398 : i32 to vector<16xi32>
            %select_n3A_401 = arith.select %or3A_396, %broadcast_in_dim3A_399, %broadcast_in_dim3A_400 : vector<16xi1>, vector<16xi32>
            %add3A_402 = arith.addi %scan3A_367, %select_n3A_401 : vector<16xi32>
            scf.yield %add3A_402 : vector<16xi32>
          }
          %scan3A_365 = arith.constant 16 : i32
          scf.yield %scan3A_364 : vector<16xi32>
        }
        %lt3A_332 = arith.constant 32 : i32
        %lt3A_333 = vector.broadcast %lt3A_332 : i32 to vector<16xi32>
        %lt3A_334 = arith.cmpi slt, %while3A_331, %lt3A_333 : vector<16xi32>
        %and3A_335 = arith.andi %lt3A_317, %lt3A_334 : vector<16xi1>
        %min3A = arith.constant 31 : i32
        %min3A_336 = vector.broadcast %min3A : i32 to vector<16xi32>
        %min3A_337 = arith.minsi %while3A_331, %min3A_336 : vector<16xi32>
        %mul3A_338 = arith.constant 32 : i32
        %mul3A_339 = arith.muli %scan3A_70, %mul3A_338 : i32
        %scatter3A = tpu.memref_slice %arg11[%mul3A_339] : memref<4096xi32, #tpu.memory_space<vmem>> -> memref<32xi32, #tpu.memory_space<vmem>>
        tpu.vector_store_idx %scatter3A[%min3A_337], %get3A_311 masked %and3A_335 : memref<32xi32, #tpu.memory_space<vmem>>[vector<16xi32>], vector<16xi32>, vector<16xi1>
        %while3A_340 = arith.constant 0 : i32
        scf.yield %while3A_340 : i32
      }
      %scan3A_301 = arith.constant 0 : i32
      scf.yield %scan3A_301 : i32
    }
    %scan3A_62 = arith.constant 128 : i32
    %mul3A_63 = arith.constant 1024 : i32
    %mul3A_64 = arith.muli %select_n3A, %mul3A_63 : i32
    %mul3A_65 = arith.constant 128 : i32
    %mul3A_66 = arith.muli %select_n3A_30, %mul3A_65 : i32
    %add3A_67 = arith.addi %mul3A_64, %mul3A_66 : i32
    %mul3A_68 = arith.constant 32 : i32
    %mul3A_69 = arith.muli %add3A_67, %mul3A_68 : i32
    "tpu.region"() ({
      %run_scoped3A = tpu.sem_alloc : memref<!tpu.dma_semaphore, #tpu.memory_space<semaphore_mem>>
      %dma_start3A = tpu.memref_slice %arg4[%mul3A_69] : memref<131072xi32, #tpu.memory_space<hbm>> -> memref<4096xi32, #tpu.memory_space<hbm>>
      %dma_start3A_70 = tpu.memref_slice %arg4[%mul3A_69] : memref<131072xi32, #tpu.memory_space<hbm>> -> memref<4096xi32, #tpu.memory_space<hbm>>
      tpu.enqueue_dma source(%arg11 : memref<4096xi32, #tpu.memory_space<vmem>>) target(%dma_start3A_70 : memref<4096xi32, #tpu.memory_space<hbm>>) target_semaphore(%run_scoped3A : memref<!tpu.dma_semaphore, #tpu.memory_space<semaphore_mem>>)
      %dma_wait3A = tpu.memref_slice %arg4[%mul3A_69] : memref<131072xi32, #tpu.memory_space<hbm>> -> memref<4096xi32, #tpu.memory_space<hbm>>
      %dma_wait3A_71 = tpu.memref_slice %arg4[%mul3A_69] : memref<131072xi32, #tpu.memory_space<hbm>> -> memref<4096xi32, #tpu.memory_space<hbm>>
      tpu.wait_dma2 semaphore(%run_scoped3A : memref<!tpu.dma_semaphore, #tpu.memory_space<semaphore_mem>>) src(%arg11 : memref<4096xi32, #tpu.memory_space<vmem>>) dst(%dma_wait3A_71 : memref<4096xi32, #tpu.memory_space<hbm>>)
      tpu.yield
    }) : () -> ()
    return
  }
}

</mosaic_0001>

<sc_bundles>
// kernel: kernel.3.cloned.1.call-start
scs
__scs_entry_jumppad:
0x0: {  	(pc) =	sbr.rel $0x88, $3  }
0x1: {  	(tag) =	ssettag $0x0;
	lr =	simm.s32 $0x1  }
0x2: {  	[smem:$0x3F9F] =	sst lr;
	_ =	strace $0xD0000000  }
0x3: {  	_ = 	snop  }
0x4: {  	_ = 	snop  }
0x5: {  	_ = 	snop  }
0x6: {  	_ = 	snop  }
0x7: {  	_ = 	snop  }
__scs_overlays_trampoline_lowered:
0x8: {  	[smem:$0x3FAE] =	sst s0  }
0x9: {  	[smem:$0x3FAF] =	sst s1  }
0xa: {  	[smem:$0x3FB0] =	sst s2  }
0xb: {  	[smem:$0x3FB1] =	sst s3  }
0xc: {  	[smem:$0x3FB2] =	sst s4  }
0xd: {  	[smem:$0x3FB3] =	sst s5  }
0xe: {  	[smem:$0x3FB4] =	sst s6  }
0xf: {  	[smem:$0x3FB5] =	sst s7  }
0x10: {  	[smem:$0x3FB6] =	sst s8  }
0x11: {  	[smem:$0x3FB7] =	sst s9;
	s0 =	simm.s32 @!p0 $0x0  }
0x12: {  	s1 =	sld [smem:$0x3F9D];
	s0 =	simm.s32 @p0 $0x1  }
0x13: {  	[smem:$0x3FB8] =	sst s0;
	s0 =	simm.s32 @!p1 $0x0  }
0x14: {  	s2 =	sld [smem:$0x3F9C];
	s0 =	simm.s32 @p1 $0x1  }
0x15: {  	[smem:$0x3FB9] =	sst s0;
	s0 =	simm.s32 @!p2 $0x0  }
0x16: {  	s3 =	sld [smem:$0x3FDB];
	s0 =	simm.s32 @p2 $0x1  }
0x17: {  	s4 =	simm.s32 $0x1BF5;
	[smem:$0x3FBB] =	sst s0  }
0x18: {  	s0 =	sld [smem:$0x3F9E];
	_ =	swait.ge [sflag:s4], $0x0  }
0x19: {  	s7 =	sld [smem:$0x3F9F]  }
0x1a: {  	s8 =	sadd.s32 $0xFFFFE003, lr  }
0x1b: {  	s9 =	sadd.s32 $0xFFFFFEF7, lr;
	s5 =	simm.s32 $0xFFFFFFFF;
	p2 =	slt.u32 s8, $0xFFFFF086  }
0x1c: {  	p1 =	slt.u32 s9, $0xF7A;
	s5 =	simm.s32 @!p2 $0x0  }
0x1d: {  	s5 =	simm.s32 @p1 $0x1;
	p0 =	seq.s32 s7, s2  }
0x1e: {  	s7 =	smul.u32 @!p0 $0xF7A, s2;
	p2 =	seq.s32 @!p0 s5, $0x0  }
0x1f: {  	s9 =	smul.u32 $0xF7A, s1;
	s8 =	simm.s32 @!p0 $0x1BF5;
	p2 =	por !p2, p0  }
0x20: {  	[sflag:s8] =	ssyncset.s32 @!p0 $0xFFFFF086;
	s6 =	sadd.s32 @!p0 s3, s7;
	s7 =	simm.s32 @!p0 $0x108  }
0x21: {  	s3 =	sadd.s32 s3, s9;
	s6 =	sadd.s32 @!p0 $0x88, s6;
	s7 =	simm.s32 @p2 $0x1082  }
0x22: {  	[simem:s7], [sflag:s8] =	dma.local @!p0 [hbm:s6], $0xF7A  }
0x23: {  	s9 =	sor.u32 $0xD0000000, s2;
	s6 =	simm.s32 $0x108;
	_ =	swait.ge @!p0 [sflag:s8], $0x0  }
0x24: {  	s3 =	sadd.s32 $0x88, s3;
	s6 =	simm.s32 @!p1 $0x1082;
	[sflag:s4] =	ssyncset.s32 $0xFFFFF086  }
0x25: {  	[simem:s6], [sflag:s4] =	dma.local [hbm:s3], $0xF7A  }
0x26: {  	[smem:$0x3F9F] =	sst s1;
	(tag) =	ssettag s2;
	_ =	strace s9  }
0x27: {  	s1 =	sld [smem:$0x3FAF]  }
0x28: {  	s2 =	sld [smem:$0x3FB0]  }
0x29: {  	s4 =	sld [smem:$0x3FB2]  }
0x2a: {  	p0 =	seq.s32 s5, $0x0;
	s5 =	sld [smem:$0x3FB3]  }
0x2b: {  	s6 =	sld [smem:$0x3FB4]  }
0x2c: {  	s7 =	sld [smem:$0x3FB5]  }
0x2d: {  	s3 =	simm.s32 $0x108;
	s8 =	sld [smem:$0x3FB6]  }
0x2e: {  	s3 =	simm.s32 @!p0 $0x1082;
	s9 =	sld [smem:$0x3FB7]  }
0x2f: {  	lr =	sadd.s32 s0, s3;
	s0 =	sld [smem:$0x3FAE]  }
0x30: {  	s3 =	sld [smem:$0x3FB1]  }
0x31: {  	[smem:$0x3FBA] =	sst s10  }
0x32: {  	s10 =	sld [smem:$0x3FB8];
	_ =	sdelay $0x3  }
0x33: {  	p0 =	seq.s32 s10, $0x1;
	s10 =	sld [smem:$0x3FBA];
	_ =	sdelay $0x3  }
0x34: {  	[smem:$0x3FBA] =	sst s10  }
0x35: {  	s10 =	sld [smem:$0x3FB9];
	_ =	sdelay $0x3  }
0x36: {  	p1 =	seq.s32 s10, $0x1;
	s10 =	sld [smem:$0x3FBA];
	_ =	sdelay $0x3  }
0x37: {  	[smem:$0x3FBA] =	sst s10  }
0x38: {  	s10 =	sld [smem:$0x3FBB]  }
0x39: {  	_ = 	snop;
	(pc) =	sbr.ind lr, $3  }
0x3a: {  	_ = 	snop  }
0x3b: {  	_ = 	snop  }
0x3c: {  	p2 =	seq.s32 s10, $0x1;
	s10 =	sld [smem:$0x3FBA]  }
0x3d: {  	_ =	shalt  }
0x3e: {  	_ =	shalt  }
0x3f: {  	_ =	shalt  }
0x40: {  	_ =	shalt  }
0x41: {  	_ =	shalt  }
0x42: {  	_ =	shalt  }
0x43: {  	_ =	shalt  }
0x44: {  	_ =	shalt  }
0x45: {  	_ =	shalt  }
0x46: {  	_ =	shalt  }
0x47: {  	_ =	shalt  }
0x48: {  	_ =	shalt  }
0x49: {  	_ =	shalt  }
0x4a: {  	_ =	shalt  }
0x4b: {  	_ =	shalt  }
0x4c: {  	_ =	shalt  }
0x4d: {  	_ =	shalt  }
0x4e: {  	_ =	shalt  }
0x4f: {  	_ =	shalt  }
0x50: {  	_ =	shalt  }
0x51: {  	_ =	shalt  }
0x52: {  	_ =	shalt  }
0x53: {  	_ =	shalt  }
0x54: {  	_ =	shalt  }
0x55: {  	_ =	shalt  }
0x56: {  	_ =	shalt  }
0x57: {  	_ =	shalt  }
0x58: {  	_ =	shalt  }
0x59: {  	_ =	shalt  }
0x5a: {  	_ =	shalt  }
0x5b: {  	_ =	shalt  }
0x5c: {  	_ =	shalt  }
0x5d: {  	_ =	shalt  }
0x5e: {  	_ =	shalt  }
0x5f: {  	_ =	shalt  }
0x60: {  	_ =	shalt  }
0x61: {  	_ =	shalt  }
0x62: {  	_ =	shalt  }
0x63: {  	_ =	shalt  }
0x64: {  	_ =	shalt  }
0x65: {  	_ =	shalt  }
0x66: {  	_ =	shalt  }
0x67: {  	_ =	shalt  }
0x68: {  	_ =	shalt  }
0x69: {  	_ =	shalt  }
0x6a: {  	_ =	shalt  }
0x6b: {  	_ =	shalt  }
0x6c: {  	_ =	shalt  }
0x6d: {  	_ =	shalt  }
0x6e: {  	_ =	shalt  }
0x6f: {  	_ =	shalt  }
0x70: {  	_ =	shalt  }
0x71: {  	_ =	shalt  }
0x72: {  	_ =	shalt  }
0x73: {  	_ =	shalt  }
0x74: {  	_ =	shalt  }
0x75: {  	_ =	shalt  }
0x76: {  	_ =	shalt  }
0x77: {  	_ =	shalt  }
0x78: {  	_ =	shalt  }
0x79: {  	_ =	shalt  }
0x7a: {  	_ =	shalt  }
0x7b: {  	_ =	shalt  }
0x7c: {  	_ =	shalt  }
0x7d: {  	_ =	shalt  }
0x7e: {  	_ =	shalt  }
0x7f: {  	_ =	shalt  }
0x80: {  	_ =	shalt  }
0x81: {  	_ =	shalt  }
0x82: {  	_ =	shalt  }
0x83: {  	_ =	shalt  }
0x84: {  	_ =	shalt  }
0x85: {  	_ =	shalt  }
0x86: {  	_ =	shalt  }
0x87: {  	_ =	shalt  }
.Lfunc_end0:
.L_simem_size_0:
called_computation_lowered:
.L_overlay_start_0:
0x88: {  	s2 =	sld [smem:$0x3FD9]  }
0x89: {  	s3 =	sld [smem:$0x3FFE];
	_ =	sdelay $0x1  }
0x8a: {  	s1 =	srdreg.scid  }
0x8b: {  	s0 =	sand.u32 $0x1, s1  }
0x8c: {  	s17 =	sshll.u32 s0, $0xA;
	s2 =	sadd.s32 s3, s2  }
0x8d: {  	s2 =	sadd.s32 s2, s17  }
0x8e: {  	[smem:$0x3FC6] =	sst s2  }
0x8f: {  	_ = 	snop  }
0x90: {  	s2 =	sld [smem:$0x3FD0];
	(tm) =	ssettm $0x1  }
0x91: {  	s18 =	sld [smem:$0x3FFB];
	_ =	sdelay $0x3  }
0x92: {  	_ =	strace s18  }
0x93: {  	s3 =	sld [smem:$0x3FFC];
	_ =	sdelay $0x3  }
0x94: {  	_ =	strace s3  }
0x95: {  	s3 =	sld [smem:$0x3FFD];
	_ =	sdelay $0x3  }
0x96: {  	_ =	strace s3  }
0x97: {  	_ =	strace $0x8FFFFFFF  }
0x98: {  	s19 =	sld [smem:$0x3FDB];
	_ =	sdelay $0x1  }
0x99: {  	s4 =	simm.s32 $_scs_section_size  }
0x9a: {  	s5 =	simm.s32 $_size__tile_overlayer_lowered;
	s6 =	simm.s32 $_tile_overlayer_lowered  }
0x9b: {  	s22 =	simm.s32 $0x1BFF;
	s21 =	sshll.u32 s6, $0x1;
	s3 =	sadd.s32 s4, s19  }
0x9c: {  	s7 =	simm.s32 $0x0;
	s20 =	sshll.u32 s5, $0x1;
	s5 =	sadd.s32 s21, s3  }
0x9d: {  	[timem:s7], [sflag:s22] =	dma.local [hbm:s5], s20  }
0x9e: {  	_ =	swait.ge [sflag:s22], s20  }
0x9f: {  	s4 =	ssub.s32 $0x0, s20;
	[sflag:s22] =	ssyncset.done $0x0  }
0xa0: {  	[sflag:s22] =	ssyncadd.s32 s4;
	_ =	sdelay $0x1  }
0xa1: {  	s23 =	simm.s32 $0x1B8B  }
0xa2: {  	_ =	swait.ge [sflag:s23], $0x1  }
0xa3: {  	[sflag:s23] =	ssyncset.done $0x0  }
0xa4: {  	s25 =	simm.s32 $0x1B8E;
	s24 =	sld [smem:$0x3FFE];
	[sflag:s23] =	ssyncadd.s32 $0xFFFFFFFF  }
0xa5: {  	s26 =	simm.s32 $execute0_lowered;
	[smem:$0x3FD2] =	sst s25  }
0xa6: {  	s5 =	sshll.u32 s26, $0x1;
	_ =	strace $0x80000046;
	[dreg:$0x1] =	wrdreg $0xFFFFFFFF  }
0xa7: {  	s28 =	simm.s32 $_size_execute0_lowered;
	s3 =	sadd.s32 s3, s5;
	[dreg:$0x0] =	wrdreg $0x0  }
0xa8: {  	s5 =	sshll.u32 s28, $0x1;
	[dreg:$0x2] =	wrdreg s3  }
0xa9: {  	[dreg:$0x3] =	wrdreg s5  }
0xaa: {  	[dreg:$0x4] =	wrdreg $0xC0  }
0xab: {  	_ =	task [dreg:s7], $0x5FFFF  }
0xac: {  	[dreg:$0x1] =	wrdreg $0xFFFFFFFF  }
0xad: {  	[dreg:$0x0] =	wrdreg $0x60  }
0xae: {  	[dreg:$0x2] =	wrdreg s24  }
0xaf: {  	[dreg:$0x3] =	wrdreg s2  }
0xb0: {  	[dreg:$0x4] =	wrdreg $0x9  }
0xb1: {  	_ =	task.clear_ibuf [dreg:s7], $0x5FFFF;
	_ =	strace $0x90000046  }
0xb2: {  	s29 =	simm.s32 $0x9;
	_ =	strace $0x80000048  }
0xb3: {  	_ =	swait.ge [sflag:s29], $0x1  }
0xb4: {  	[sflag:s29] =	ssyncadd.s32 $0xFFFFFFFF  }
0xb5: {  	_ =	strace $0x90000048  }
0xb6: {  	_ =	sfence  }
0xb7: {  	s30 =	sld [smem:$0x0];
	_ =	sdelay $0x2  }
0xb8: {  	s31 =	sshll.u32 s1, $0xD;
	s1 =	sshrl.u32 s1, $0x2  }
0xb9: {  	s3 =	sand.u32 $0x4000, s31;
	s1 =	sadd.s32 s1, s30  }
0xba: {  	s0 =	sor.u32 s3, s0;
	s1 =	sshll.u32 s1, $0x11  }
0xbb: {  	s0 =	sor.u32 s1, s0  }
0xbc: {  	s0 =	sadd.s32 $0x8F2B, s0  }
0xbd: {  	[sflag:s0] =	ssyncadd.remote.s32 $0x1  }
0xbe: {  	_ =	sfence.sel $0xFFFF  }
0xbf: {  	[dreg:$0x0] =	wrdreg $0xFFFFFFFF;
	(pc) =	sbr.abs _section_cstart, $3  }
0xc0: {  	[dreg:$0x1] =	wrdreg $0xFFFFFFFF  }
0xc1: {  	_ =	task.clear_ibuf [dreg:s7], $0x2FFFF;
	_ =	strace $0x9FFFFFFF  }
0xc2: {  	(tm) =	ssettm $0x7FFFFFFF  }
0xc3: {  	_ =	shalt  }
tec
execute0_lowered:
.L_overlay_start_1:
0x0: {  	(tag) =	ssettag $0x1  }
0x1: {  	s0 =	rddreg [dreg:$0x0]  }
0x2: {  	s7 =	rddreg [dreg:$0x1];
	s2 =	simm.s32 $0x0;
	s1 =	stileid.u32  }
0x3: {  	v0 =	vimm.s32 $0xFEDCBA98;
	s3 =	srdreg.scid;
	v1 =	vimm.s32 $0x76543210;
	s12 =	simm.s32 $0x4000;
	s13 =	simm.s32 $0x8000  }
0x4: {  	v2 =	vimm.s32 $0xBA98FEDC;
	s14 =	simm.s32 $0xC000;
	s15 =	simm.s32 $0xC100;
	s16 =	simm.s32 $0xC200  }
0x5: {  	v3 =	vimm.s32 $0x32107654;
	v4 =	vimm.s32 $0xDCFE98BA;
	s17 =	simm.s32 $0xC300;
	s18 =	simm.s32 $0x0;
	[smem:$0x7FF] =	sst s2  }
0x6: {  	v5 =	vimm.s32 $0x54761032;
	v6 =	vimm.s32 $0xEFCDAB89;
	v7 =	vimm.s32 $0x67452301;
	s6 =	sshrl.u32 s1, $0x2;
	s4 =	sshll.u32 s1, $0x1;
	s3 =	sand.u32 $0x1, s3  }
0x7: {  	v0 =	vunpack.c.l.s4.s8 v0;
	v1 =	vunpack.c.l.s4.s8 v1;
	v2 =	vunpack.c.l.s4.s8 v2;
	s5 =	smul.u32 $0xC000, s6;
	s4 =	sand.u32 $0x6, s4;
	_ =	strace $0x80000047  }
0x8: {  	v3 =	vunpack.c.l.s4.s8 v3;
	v4 =	vunpack.c.l.s4.s8 v4;
	v5 =	vunpack.c.l.s4.s8 v5;
	s29 =	smul.u32 $0xC00, s6;
	s31 =	sshll.u32 s6, $0xC;
	s8 =	sor.u32 s3, s4  }
0x9: {  	v6 =	vunpack.c.l.s4.s8 v6;
	v7 =	vunpack.c.l.s4.s8 v7;
	v0 =	vunpack.c.0.s8.s32 v0;
	s3 =	ssub.s32 $0x2, s3;
	s9 =	sshll.u32 s8, $0x7;
	s5 =	sshrl.u32 s5, $0x3  }
0xa: {  	v2 =	vunpack.c.0.s8.s32 v2;
	v3 =	vunpack.c.0.s8.s32 v3;
	v4 =	vunpack.c.0.s8.s32 v4;
	s30 =	sshrl.u32 s3, $0x1;
	s11 =	sshll.u32 s8, $0x9;
	s4 =	sor.u32 s29, s9  }
.Ltmp0:
0xb: {  	v5 =	vunpack.c.0.s8.s32 v5;
	v6 =	vunpack.c.0.s8.s32 v6;
	v7 =	vunpack.c.0.s8.s32 v7;
	s5 =	sadd.s32 s5, s0;
	s10 =	ssub.s32 s3, s30;
	(pc) =	sbr.rel .LBB2_1-.Ltmp0, $4  }
0xc: {  	v1 =	vunpack.c.0.s8.s32 v1;
	s9 =	sadd.s32 s7, s31;
	v2 =	vcombine.low v3, v2;
	s4 =	sshrl.u32 s4, $0x3;
	s3 =	sadd.s32 $0xA00, s5  }
0xd: {  	v3 =	vcombine.low v5, v4;
	v4 =	vand.u32 $0xF, v0;
	v5 =	vcombine.low v7, v6;
	s9 =	sadd.s32 s11, s9;
	s10 =	smax.u32 s10, $0x1;
	s11 =	simm.s32 $0x1  }
0xe: {  	v0 =	vlaneseq.u32;
	v1 =	vcombine.low v4, v1;
	s0 =	sadd.s32 s4, s0;
	s4 =	sadd.s32 $0x1200, s5;
	s5 =	sadd.s32 $0x1A00, s5;
	v2 =	vand.u32 $0xF, v2  }
0xf: {  	v3 =	vand.u32 $0xF, v3;
	v4 =	vand.u32 $0xF, v5;
	v5 =	vimm.s32 $0x0;
	s6 =	sadd.s32 $0x400, s0;
	s7 =	sadd.s32 $0x480, s0;
	s8 =	sadd.s32 $0x500, s0  }
.LBB2_18:
0x10: {  	s18 =	sadd.s32 $0x1, s18  }
0x11: {  	p0 =	sne.s32 s18, s10  }
.Ltmp1:
0x12: {  	_ = 	snop;
	(pc) =	sbr.rel @!p0 .LBB2_19-.Ltmp1, $4  }
0x13: {  	[hbm4b:s9+s2] =	stream.linear.scatter [tilespmem:s17], [sflag:$0x1], $0x1000, $0x38;
	[tilespmem:$0x19400] =	vst v63  }
0x14: {  	_ =	swait.ge [sflag:s11], $0x1000  }
0x15: {  	[sflag:s11] =	ssyncset.done $0x0  }
0x16: {  	[sflag:s11] =	ssyncadd.s32 $0xFFFFF000  }
.LBB2_1:
0x17: {  	[tilespmem:s2], [sflag:$0x1] =	stream.linear.gather [hbm4b:s3+s2], $0x4000, $0x38;
	[tilespmem:$0x19400] =	vst v63  }
0x18: {  	_ =	swait.ge [sflag:s11], $0x4000  }
0x19: {  	[sflag:s11] =	ssyncset.done $0x0  }
0x1a: {  	[sflag:s11] =	ssyncadd.s32 $0xFFFFC000  }
0x1b: {  	[tilespmem:s12], [sflag:$0x1] =	stream.linear.gather [hbm4b:s4+s2], $0x4000, $0x38;
	[tilespmem:$0x19400] =	vst v63  }
0x1c: {  	_ =	swait.ge [sflag:s11], $0x4000  }
0x1d: {  	[sflag:s11] =	ssyncset.done $0x0  }
0x1e: {  	[sflag:s11] =	ssyncadd.s32 $0xFFFFC000  }
0x1f: {  	[tilespmem:s13], [sflag:$0x1] =	stream.linear.gather [hbm4b:s5+s2], $0x4000, $0x38;
	[tilespmem:$0x19400] =	vst v63  }
0x20: {  	_ =	swait.ge [sflag:s11], $0x4000  }
0x21: {  	[sflag:s11] =	ssyncset.done $0x0  }
0x22: {  	[sflag:s11] =	ssyncadd.s32 $0xFFFFC000  }
0x23: {  	[tilespmem:s14], [sflag:$0x1] =	stream.linear.gather [hbm4b:s6+s2], $0x80, $0x38;
	[tilespmem:$0x19400] =	vst v63  }
0x24: {  	_ =	swait.ge [sflag:s11], $0x80  }
0x25: {  	[sflag:s11] =	ssyncset.done $0x0  }
0x26: {  	[sflag:s11] =	ssyncadd.s32 $0xFFFFFF80  }
0x27: {  	[tilespmem:s15], [sflag:$0x1] =	stream.linear.gather [hbm4b:s7+s2], $0x80, $0x38;
	[tilespmem:$0x19400] =	vst v63  }
0x28: {  	_ =	swait.ge [sflag:s11], $0x80  }
0x29: {  	[sflag:s11] =	ssyncset.done $0x0  }
0x2a: {  	[sflag:s11] =	ssyncadd.s32 $0xFFFFFF80  }
0x2b: {  	[tilespmem:s16], [sflag:$0x1] =	stream.linear.gather [hbm4b:s8+s2], $0x80, $0x38;
	[tilespmem:$0x19400] =	vst v63  }
0x2c: {  	_ =	swait.ge [sflag:s11], $0x80  }
0x2d: {  	[sflag:s11] =	ssyncset.done $0x0  }
0x2e: {  	s19 =	simm.s32 $0x0;
	[sflag:s11] =	ssyncadd.s32 $0xFFFFFF80  }
0x2f: {  	v6 =	vld [tilespmem:s19+$0x0];
	_ =	sdelay $0x1  }
0x30: {  	v7 =	vld [tilespmem:s19+$0x4000]  }
0x31: {  	v8 =	vld [tilespmem:s19+$0x8000];
	_ =	sdelay $0x1  }
0x32: {  	v9 =	vshrl.u32 v6, $0x10  }
0x33: {  	v9 =	vand.u32 $0x1, v9  }
0x34: {  	v10 =	vmul.f32 v6, v6;
	v11 =	vshrl.u32 v7, $0x10;
	v6 =	vadd.s32 v9, v6  }
0x35: {  	v9 =	vand.u32 $0x1, v11;
	v11 =	vshrl.u32 v8, $0x10;
	v6 =	vadd.s32 $0x7FFF, v6  }
0x36: {  	v9 =	vadd.s32 v9, v7;
	v11 =	vand.u32 $0x1, v11;
	v7 =	vmul.f32 v7, v7  }
0x37: {  	v6 =	vand.u32 $0xFFFF0000, v6;
	v9 =	vadd.s32 $0x7FFF, v9;
	v11 =	vadd.s32 v11, v8  }
0x38: {  	s20 =	simm.s32 $0x10;
	[tilespmem:s19+$0x0] =	vst v6;
	v9 =	vand.u32 $0xFFFF0000, v9;
	v11 =	vadd.s32 $0x7FFF, v11  }
0x39: {  	s21 =	simm.s32 $0x80;
	v8 =	vmul.f32 v8, v8;
	v7 =	vadd.f32 v7, v10;
	v6 =	vld [tilespmem:s20+$0x0];
	[tilespmem:s19+$0x4000] =	vst v9;
	v9 =	vand.u32 $0xFFFF0000, v11  }
.LBB2_2:
0x3a: {  	p0 =	sne.s32 s21, $0xFFC0;
	v10 =	vld [tilespmem:s20+$0x4000];
	[tilespmem:s19+$0x8000] =	vst v9  }
0x3b: {  	v9 =	vld [tilespmem:s20+$0x8000];
	v7 =	vadd.f32 v8, v7;
	_ =	sdelay $0x1  }
0x3c: {  	[tilespmem:s19+$0x15400] =	vst v7;
	s19 =	smov.u32 s20  }
0x3d: {  	v7 =	vmul.f32 v6, v6;
	v8 =	vshrl.u32 v6, $0x10  }
0x3e: {  	v11 =	vmul.f32 v10, v10;
	v8 =	vand.u32 $0x1, v8;
	v12 =	vshrl.u32 v10, $0x10  }
.Ltmp2:
0x3f: {  	v6 =	vadd.s32 v8, v6;
	v8 =	vand.u32 $0x1, v12;
	v12 =	vshrl.u32 v9, $0x10;
	(pc) =	sbr.rel @p0 .LBB2_2-.Ltmp2, $4  }
0x40: {  	v6 =	vadd.s32 $0x7FFF, v6;
	v8 =	vadd.s32 v8, v10;
	v10 =	vand.u32 $0x1, v12  }
0x41: {  	v6 =	vand.u32 $0xFFFF0000, v6;
	v8 =	vadd.s32 $0x7FFF, v8;
	v10 =	vadd.s32 v10, v9  }
0x42: {  	s20 =	sshra.s32 s21, $0x2;
	v7 =	vadd.f32 v11, v7;
	[tilespmem:s19+$0x0] =	vst v6;
	v11 =	vand.u32 $0xFFFF0000, v8;
	v10 =	vadd.s32 $0x7FFF, v10  }
0x43: {  	s21 =	sadd.s32 $0x40, s21;
	v8 =	vmul.f32 v9, v9;
	v6 =	vld [tilespmem:s20+$0x0];
	[tilespmem:s19+$0x4000] =	vst v11;
	v9 =	vand.u32 $0xFFFF0000, v10  }
0x44: {  	v10 =	vld [tilespmem:s20+$0x4000]  }
0x45: {  	[tilespmem:s19+$0x8000] =	vst v9  }
0x46: {  	v9 =	vld [tilespmem:s20+$0x8000];
	_ =	sdelay $0x1  }
0x47: {  	v7 =	vadd.f32 v8, v7;
	v61 =	vshrl.u32 v6, $0x10  }
0x48: {  	v11 =	vmul.f32 v6, v6;
	v8 =	vand.u32 $0x1, v61;
	v12 =	vshrl.u32 v10, $0x10  }
0x49: {  	v62 =	vmul.f32 v10, v10;
	v6 =	vadd.s32 v8, v6;
	v12 =	vand.u32 $0x1, v12  }
0x4a: {  	v63 =	vshrl.u32 v9, $0x10;
	v10 =	vadd.s32 v12, v10;
	v6 =	vadd.s32 $0x7FFF, v6  }
0x4b: {  	v12 =	vand.u32 $0x1, v63;
	v8 =	vadd.f32 v62, v11;
	v6 =	vand.u32 $0xFFFF0000, v6  }
.Ltmp3:
0x4c: {  	[tilespmem:s19+$0x15400] =	vst v7;
	v10 =	vadd.s32 $0x7FFF, v10;
	v7 =	vadd.s32 v12, v9;
	v9 =	vmul.f32 v9, v9;
	(pc) =	sbr.rel .LBB2_4-.Ltmp3, $4  }
0x4d: {  	[tilespmem:s20+$0x0] =	vst v6;
	v6 =	vand.u32 $0xFFFF0000, v10;
	v7 =	vadd.s32 $0x7FFF, v7  }
0x4e: {  	[tilespmem:s20+$0x4000] =	vst v6;
	v6 =	vand.u32 $0xFFFF0000, v7;
	v7 =	vadd.f32 v9, v8  }
0x4f: {  	[tilespmem:s20+$0x8000] =	vst v6  }
0x50: {  	s19 =	simm.s32 $0x0;
	[tilespmem:s20+$0x15400] =	vst v7  }
.LBB2_17:
0x51: {  	s19 =	sadd.s32 $0x1, s19  }
0x52: {  	p0 =	sne.s32 s19, $0x80  }
.Ltmp4:
0x53: {  	_ = 	snop;
	(pc) =	sbr.rel @!p0 .LBB2_18-.Ltmp4, $1  }
0x54: {  	_ =	sdelay $0x3  }
.LBB2_4:
0x55: {  	v6 =	vld [tilespmem:s19+$0xC000]  }
0x56: {  	v7 =	vld [tilespmem:s19+$0xC100];
	_ =	sdelay $0x1  }
0x57: {  	v8 =	vld [tilespmem:s19+$0xC200];
	_ =	sdelay $0x2  }
0x58: {  	v9 =	vmul.f32 v6, v6;
	v10 =	vmul.f32 v7, v7  }
0x59: {  	v6 =	vbroadcast v6, $0x0  }
0x5a: {  	v7 =	vbroadcast v7, $0x0;
	v9 =	vadd.f32 v10, v9;
	v10 =	vmul.f32 v8, v8  }
0x5b: {  	v11 =	vshrl.u32 v6, $0x10;
	v8 =	vbroadcast v8, $0x0  }
0x5c: {  	v9 =	vadd.f32 v10, v9;
	v10 =	vand.u32 $0x1, v11;
	v11 =	vshrl.u32 v7, $0x10  }
.Ltmp5:
0x5d: {  	v12 =	vshrl.u32 v8, $0x10;
	v10 =	vadd.s32 v10, v6;
	v11 =	vand.u32 $0x1, v11;
	(pc) =	sbr.rel .LBB2_5-.Ltmp5, $4  }
0x5e: {  	v6 =	vbroadcast v9, $0x0;
	v7 =	vadd.s32 v11, v7;
	v9 =	vand.u32 $0x1, v12  }
0x5f: {  	s21 =	simm.s32 $0x4000;
	v10 =	vadd.s32 $0x7FFF, v10;
	v11 =	vadd.s32 $0x7FFF, v7;
	v9 =	vadd.s32 v9, v8  }
0x60: {  	s22 =	simm.s32 $0x8000;
	s23 =	simm.s32 $0x15400;
	s24 =	simm.s32 $0x0;
	v7 =	vand.u32 $0xFFFF0000, v10;
	v10 =	vimm.s32 $0x0;
	v9 =	vadd.s32 $0x7FFF, v9  }
0x61: {  	s25 =	simm.s32 $0x0;
	s20 =	simm.s32 $0x0;
	s26 =	simm.s32 $0x0;
	v8 =	vand.u32 $0xFFFF0000, v11;
	v11 =	vimm.f32 $+Inf;
	v9 =	vand.u32 $0xFFFF0000, v9  }
.LBB2_9:
0x62: {  	vm0 =	vlt.f32 v17, v11  }
0x63: {  	v11 =	vsel vm0, v17, v11  }
0x64: {  	vm1 =	vlt.f32 v16, v11  }
0x65: {  	v11 =	vsel vm1, v16, v11  }
0x66: {  	vm2 =	vlt.f32 v18, v11  }
0x67: {  	v11 =	vsel vm2, v18, v11  }
0x68: {  	vm3 =	vlt.f32 v19, v11  }
0x69: {  	v56 =	vor.u32 s28, v0;
	s0 =	sor.u32 $0x10, s28;
	v11 =	vsel vm3, v19, v11  }
0x6a: {  	s30 =	sor.u32 $0x20, s28;
	v10 =	vsel vm0, v56, v10;
	v57 =	vor.u32 s0, v0;
	vm12 =	vlt.f32 v15, v11  }
0x6b: {  	s31 =	sor.u32 $0x30, s28;
	s26 =	sadd.s32 $0x1, s26;
	v58 =	vor.u32 s30, v0;
	v10 =	vsel vm1, v57, v10;
	v11 =	vsel vm12, v15, v11  }
0x6c: {  	s1 =	sor.u32 $0x40, s28;
	v59 =	vor.u32 s31, v0;
	p0 =	sne.s32 s26, $0x80;
	v10 =	vsel vm2, v58, v10;
	vm13 =	vlt.f32 v14, v11  }
.Ltmp6:
0x6d: {  	s29 =	sor.u32 $0x50, s28;
	v60 =	vor.u32 s1, v0;
	v10 =	vsel vm3, v59, v10;
	v11 =	vsel vm13, v14, v11;
	(pc) =	sbr.rel @!p0 .LBB2_10-.Ltmp6, $4  }
0x6e: {  	v61 =	vor.u32 s29, v0;
	s30 =	sor.u32 $0x60, s28;
	v10 =	vsel vm12, v60, v10;
	vm14 =	vlt.f32 v13, v11  }
0x6f: {  	s31 =	sor.u32 $0x70, s28;
	v62 =	vor.u32 s30, v0;
	v10 =	vsel vm13, v61, v10;
	v11 =	vsel vm14, v13, v11  }
0x70: {  	s25 =	sadd.s32 $0x80, s25;
	s24 =	sadd.s32 $0x80, s24;
	v63 =	vor.u32 s31, v0;
	v10 =	vsel vm14, v62, v10;
	vm15 =	vlt.f32 v12, v11  }
0x71: {  	s21 =	sadd.s32 $0x80, s21;
	s22 =	sadd.s32 $0x80, s22;
	s23 =	sadd.s32 $0x80, s23;
	v10 =	vsel vm15, v63, v10;
	v11 =	vsel vm15, v12, v11  }
.LBB2_5:
0x72: {  	s28 =	sshll.u32 s26, $0x7  }
0x73: {  	v12 =	vld [tilespmem:s28+$0x0]  }
0x74: {  	v13 =	vld [tilespmem:s28+$0x4000]  }
0x75: {  	v14 =	vld [tilespmem:s28+$0x8000]  }
0x76: {  	v15 =	vld [tilespmem:s28+$0x15400]  }
0x77: {  	v16 =	vld [tilespmem:s28+$0x10]  }
0x78: {  	v17 =	vld [tilespmem:s28+$0x4010]  }
0x79: {  	v18 =	vld [tilespmem:s28+$0x8010]  }
0x7a: {  	v19 =	vld [tilespmem:s28+$0x15410]  }
0x7b: {  	v20 =	vld [tilespmem:s28+$0x20]  }
0x7c: {  	v21 =	vld [tilespmem:s28+$0x4020]  }
0x7d: {  	v22 =	vld [tilespmem:s28+$0x8020]  }
0x7e: {  	v23 =	vld [tilespmem:s28+$0x15420]  }
0x7f: {  	v24 =	vld [tilespmem:s28+$0x30]  }
0x80: {  	v25 =	vld [tilespmem:s28+$0x8030];
	v12 =	vmul.f32 v7, v12;
	v13 =	vmul.f32 v8, v13  }
0x81: {  	v26 =	vld [tilespmem:s28+$0x40]  }
0x82: {  	v27 =	vld [tilespmem:s28+$0x4040];
	v12 =	vadd.f32 v13, v12;
	v13 =	vmul.f32 v9, v14  }
0x83: {  	v47 =	vld [tilespmem:s28+$0x15440];
	v16 =	vmul.f32 v7, v16;
	v17 =	vmul.f32 v8, v17  }
0x84: {  	v48 =	vld [tilespmem:s28+$0x4050];
	v12 =	vadd.f32 v13, v12  }
0x85: {  	v15 =	vadd.f32 v15, v6;
	v14 =	vld [tilespmem:s28+$0x4030];
	v16 =	vadd.f32 v17, v16;
	v17 =	vmul.f32 v9, v18  }
0x86: {  	v49 =	vld [tilespmem:s28+$0x8050];
	v20 =	vmul.f32 v7, v20;
	v21 =	vmul.f32 v8, v21;
	v12 =	vadd.f32 v12, v12  }
0x87: {  	v50 =	vld [tilespmem:s28+$0x15450];
	v16 =	vadd.f32 v17, v16  }
0x88: {  	v18 =	vld [tilespmem:s28+$0x8040];
	v12 =	vsub.f32 v15, v12;
	v15 =	vadd.f32 v21, v20;
	v20 =	vmul.f32 v9, v22  }
0x89: {  	v17 =	vadd.f32 v19, v6;
	v19 =	vld [tilespmem:s28+$0x50];
	v16 =	vadd.f32 v16, v16  }
0x8a: {  	v58 =	vld [tilespmem:s28+$0x15460];
	v14 =	vmul.f32 v8, v14;
	v15 =	vadd.f32 v20, v15;
	v20 =	vmul.f32 v7, v24  }
0x8b: {  	v52 =	vld [tilespmem:s28+$0x60];
	v51 =	vmul.f32 v8, v27;
	v16 =	vsub.f32 v17, v16  }
0x8c: {  	v13 =	vld [tilespmem:s28+$0x15430];
	v17 =	vmul.f32 v7, v26;
	v14 =	vadd.f32 v14, v20;
	v20 =	vmul.f32 v9, v25  }
0x8d: {  	v54 =	vld [tilespmem:s28+$0x4070];
	v23 =	vadd.f32 v23, v6;
	v18 =	vmul.f32 v9, v18;
	v22 =	vmul.f32 v8, v48  }
0x8e: {  	v19 =	vmul.f32 v7, v19;
	v17 =	vadd.f32 v51, v17;
	v14 =	vadd.f32 v20, v14;
	v20 =	vld [tilespmem:s28+$0x4060]  }
0x8f: {  	v53 =	vld [tilespmem:s28+$0x70];
	v61 =	vadd.f32 v58, v6;
	v15 =	vadd.f32 v15, v15  }
0x90: {  	v55 =	vld [tilespmem:s28+$0x8060];
	v17 =	vadd.f32 v18, v17;
	v18 =	vadd.f32 v22, v19;
	v19 =	vmul.f32 v9, v49  }
0x91: {  	v56 =	vld [tilespmem:s28+$0x8070];
	v57 =	vmul.f32 v7, v52;
	v13 =	vadd.f32 v13, v6;
	v15 =	vsub.f32 v23, v15  }
0x92: {  	v26 =	vmul.f32 v8, v54;
	v18 =	vadd.f32 v19, v18;
	v14 =	vadd.f32 v14, v14  }
0x93: {  	v17 =	vadd.f32 v17, v17;
	v19 =	vadd.f32 v50, v6;
	v20 =	vmul.f32 v8, v20  }
0x94: {  	v23 =	vmul.f32 v7, v53;
	v18 =	vadd.f32 v18, v18;
	v13 =	vsub.f32 v13, v14  }
0x95: {  	v59 =	vld [tilespmem:s28+$0x15470];
	v22 =	vmul.f32 v9, v55;
	v14 =	vadd.f32 v47, v6;
	v20 =	vadd.f32 v20, v57  }
0x96: {  	v21 =	vmul.f32 v9, v56;
	v60 =	vsub.f32 v19, v18;
	v19 =	vadd.f32 v26, v23  }
0x97: {  	v14 =	vsub.f32 v14, v17;
	v17 =	vmax.f32 v12, $0.0e+00;
	v12 =	vadd.f32 v22, v20  }
0x98: {  	v16 =	vmax.f32 v16, $0.0e+00;
	v18 =	vmax.f32 v15, $0.0e+00;
	v15 =	vadd.f32 v21, v19  }
0x99: {  	v19 =	vmax.f32 v13, $0.0e+00;
	v20 =	vmin.f32 v17, v16;
	v12 =	vadd.f32 v12, v12  }
0x9a: {  	v13 =	vadd.f32 v59, v6;
	v62 =	vadd.f32 v15, v15;
	v20 =	vmin.f32 v20, v18  }
0x9b: {  	v15 =	vmax.f32 v14, $0.0e+00;
	v20 =	vmin.f32 v20, v19;
	v12 =	vsub.f32 v61, v12  }
0x9c: {  	v14 =	vmax.f32 v60, $0.0e+00;
	v63 =	vsub.f32 v13, v62;
	v20 =	vmin.f32 v20, v15  }
0x9d: {  	v20 =	vmin.f32 v20, v14;
	v13 =	vmax.f32 v12, $0.0e+00  }
0x9e: {  	v12 =	vmax.f32 v63, $0.0e+00;
	v20 =	vmin.f32 v20, v13  }
0x9f: {  	v20 =	vmin.f32 v20, v12  }
0xa0: {  	vm0 =	vlt.f32 v20, $1.599999840e-03  }
0xa1: {  	v20 =	vmpcnt.ones.xlane vm0;
	_ =	sdelay $0x1  }
0xa2: {  	(v2sf) =	vpush v20, $0x0;
	_ =	sdelay $0xe  }
0xa3: {  	s0 =	spop (v2sf)  }
0xa4: {  	p0 =	slt.s32 s0, $0x1  }
.Ltmp7:
0xa5: {  	_ = 	snop;
	(pc) =	sbr.rel @p0 .LBB2_9-.Ltmp7, $2  }
0xa6: {  	_ =	sdelay $0x2  }
0xa7: {  	s29 =	simm.s32 $0x0  }
0xa8: {  	s0 =	sshra.s32 s29, $0x2  }
0xa9: {  	s30 =	sadd.s32 s0, s21  }
0xaa: {  	s31 =	sadd.s32 s0, s24;
	v20 =	vld [tilespmem:s30+$0x0]  }
0xab: {  	v21 =	vld [tilespmem:s31+$0x0]  }
0xac: {  	s30 =	sadd.s32 s0, s22  }
0xad: {  	v22 =	vld [tilespmem:s30+$0x0];
	_ =	sdelay $0x2  }
0xae: {  	s0 =	sadd.s32 s0, s23;
	v21 =	vmul.f32 v7, v21;
	v20 =	vmul.f32 v8, v20  }
0xaf: {  	v23 =	vld [tilespmem:s0+$0x0]  }
0xb0: {  	v20 =	vadd.f32 v20, v21;
	v21 =	vmul.f32 v9, v22;
	_ =	sdelay $0x1  }
0xb1: {  	v20 =	vadd.f32 v21, v20;
	_ =	sdelay $0x1  }
0xb2: {  	v21 =	vadd.f32 v23, v6;
	v20 =	vadd.f32 v20, v20;
	_ =	sdelay $0x1  }
0xb3: {  	v20 =	vsub.f32 v21, v20;
	_ =	sdelay $0x1  }
0xb4: {  	v20 =	vmax.f32 v20, $0.0e+00  }
0xb5: {  	s29 =	sadd.s32 $0x40, s29;
	vm0 =	vlt.f32 v20, $1.599999840e-03  }
0xb6: {  	s31 =	sshra.s32 s29, $0x2;
	v21 =	vor.u32 s25, v0;
	[tilespmem:s20+$0xD300] =	vst.msk vm0, v20;
	v20 =	vmpcnt.ones.xlane vm0  }
0xb7: {  	s0 =	sadd.s32 s31, s21;
	s30 =	sadd.s32 $0x40, s29;
	s29 =	smov.u32 s25;
	[tilespmem:s20+$0x11380] =	vst.msk vm0, v21  }
.LBB2_7:
0xb8: {  	p0 =	sne.s32 s30, $0x1C0;
	s1 =	sadd.s32 s31, s24;
	v21 =	vld [tilespmem:s0+$0x0];
	(v2sf) =	vpush v20, $0x0  }
0xb9: {  	v20 =	vld [tilespmem:s1+$0x0]  }
0xba: {  	s0 =	sadd.s32 s31, s22  }
0xbb: {  	v22 =	vld [tilespmem:s0+$0x0];
	_ =	sdelay $0x2  }
0xbc: {  	s0 =	sadd.s32 s31, s23;
	v21 =	vmul.f32 v8, v21;
	v20 =	vmul.f32 v7, v20  }
0xbd: {  	v23 =	vld [tilespmem:s0+$0x0]  }
0xbe: {  	v20 =	vadd.f32 v21, v20;
	v21 =	vmul.f32 v9, v22;
	_ =	sdelay $0x1  }
0xbf: {  	v20 =	vadd.f32 v21, v20;
	_ =	sdelay $0x1  }
0xc0: {  	v21 =	vadd.f32 v23, v6;
	v20 =	vadd.f32 v20, v20;
	_ =	sdelay $0x1  }
0xc1: {  	v20 =	vsub.f32 v21, v20  }
.Ltmp8:
0xc2: {  	s0 =	spop (v2sf);
	(pc) =	sbr.rel @p0 .LBB2_7-.Ltmp8, $4  }
0xc3: {  	v20 =	vmax.f32 v20, $0.0e+00;
	s20 =	sadd.s32 s20, s0  }
0xc4: {  	s29 =	sadd.s32 $0x10, s29;
	vm0 =	vlt.f32 v20, $1.599999840e-03  }
0xc5: {  	s31 =	sshra.s32 s30, $0x2;
	v21 =	vor.u32 s29, v0;
	[tilespmem:s20+$0xD300] =	vst.msk vm0, v20;
	v20 =	vmpcnt.ones.xlane vm0  }
0xc6: {  	s30 =	sadd.s32 $0x40, s30;
	s0 =	sadd.s32 s31, s21;
	[tilespmem:s20+$0x11380] =	vst.msk vm0, v21  }
0xc7: {  	s1 =	sadd.s32 s31, s24;
	v21 =	vld [tilespmem:s0+$0x0]  }
0xc8: {  	v22 =	vld [tilespmem:s1+$0x0]  }
0xc9: {  	s30 =	sadd.s32 s31, s22  }
0xca: {  	v23 =	vld [tilespmem:s30+$0x0];
	_ =	sdelay $0x2  }
0xcb: {  	s31 =	sadd.s32 s31, s23;
	v21 =	vmul.f32 v8, v21;
	v22 =	vmul.f32 v7, v22  }
0xcc: {  	v24 =	vld [tilespmem:s31+$0x0]  }
0xcd: {  	v62 =	vmul.f32 v9, v23;
	v21 =	vadd.f32 v21, v22;
	_ =	sdelay $0x1  }
0xce: {  	v21 =	vadd.f32 v62, v21;
	_ =	sdelay $0x1  }
0xcf: {  	v63 =	vadd.f32 v24, v6;
	v21 =	vadd.f32 v21, v21;
	_ =	sdelay $0x1  }
0xd0: {  	v21 =	vsub.f32 v63, v21;
	_ =	sdelay $0x1  }
0xd1: {  	v21 =	vmax.f32 v21, $0.0e+00  }
0xd2: {  	vm0 =	vlt.f32 v21, $1.599999840e-03  }
0xd3: {  	(v2sf) =	vpush v20, $0x0;
	v20 =	vmpcnt.ones.xlane vm0;
	_ =	sdelay $0x1  }
0xd4: {  	(v2sf) =	vpush v20, $0x0;
	_ =	sdelay $0xb  }
.Ltmp9:
0xd5: {  	_ = 	snop;
	(pc) =	sbr.rel .LBB2_9-.Ltmp9, $4  }
0xd6: {  	s1 =	spop (v2sf)  }
0xd7: {  	s30 =	sadd.s32 $0x10, s29;
	s0 =	sadd.s32 s20, s1  }
0xd8: {  	[tilespmem:s0+$0xD300] =	vst.msk vm0, v21;
	v20 =	vor.u32 s30, v0;
	s31 =	spop (v2sf)  }
0xd9: {  	[tilespmem:s0+$0x11380] =	vst.msk vm0, v20;
	s20 =	sadd.s32 s0, s31  }
.LBB2_10:
0xda: {  	v6 =	vperm.xlane v11, v1;
	v7 =	vperm.xlane v10, v1;
	_ =	sdelay $0x1  }
0xdb: {  	vm0 =	veq.f32 v6, v11;
	vm1 =	vlt.s32 v7, v10  }
0xdc: {  	vm2 =	vlt.f32 v6, v11;
	vm0 =	vmand vm0, vm1  }
0xdd: {  	vm0 =	vmor vm2, vm0  }
0xde: {  	v6 =	vsel vm0, v6, v11;
	v7 =	vsel vm0, v7, v10  }
0xdf: {  	v8 =	vperm.xlane v6, v2;
	v9 =	vperm.xlane v7, v2;
	_ =	sdelay $0x1  }
0xe0: {  	vm7 =	veq.f32 v8, v6;
	vm8 =	vlt.s32 v9, v7  }
0xe1: {  	vm9 =	vlt.f32 v8, v6;
	vm0 =	vmand vm7, vm8  }
0xe2: {  	vm0 =	vmor vm9, vm0  }
0xe3: {  	v6 =	vsel vm0, v8, v6;
	v7 =	vsel vm0, v9, v7  }
0xe4: {  	v8 =	vperm.xlane v6, v3;
	v9 =	vperm.xlane v7, v3  }
0xe5: {  	s0 =	sadd.s32 $0xF, s20  }
0xe6: {  	s1 =	sand.u32 $0xF, s0;
	vm10 =	veq.f32 v8, v6;
	vm11 =	vlt.s32 v9, v7  }
0xe7: {  	s21 =	sshra.s32 s0, $0x1F;
	p0 =	slt.s32 s0, $0x1;
	p1 =	sne.s32 s1, $0x0;
	vm12 =	vlt.f32 v8, v6;
	vm0 =	vmand vm10, vm11  }
0xe8: {  	s30 =	sshrl.u32 s21, $0x1C;
	p0 =	por !p0, !p1;
	vm0 =	vmor vm12, vm0  }
0xe9: {  	s1 =	simm.s32 $0x1;
	s0 =	sadd.s32 s30, s0;
	p0 =	por !p0, !p0;
	v6 =	vsel vm0, v8, v6;
	v7 =	vsel vm0, v9, v7  }
0xea: {  	s22 =	sshra.s32 s0, $0x4;
	s1 =	simm.s32 @!p0 $0x0;
	v8 =	vperm.xlane v6, v4;
	v9 =	vperm.xlane v7, v4  }
0xeb: {  	s21 =	ssub.s32 s22, s1  }
0xec: {  	p0 =	slt.s32 s21, $0x1;
	vm13 =	veq.f32 v8, v6;
	vm14 =	vlt.s32 v9, v7  }
.Ltmp10:
0xed: {  	vm15 =	vlt.f32 v8, v6;
	vm0 =	vmand vm13, vm14;
	(pc) =	sbr.rel @p0 .LBB2_17-.Ltmp10, $4  }
0xee: {  	s31 =	sshll.u32 s19, $0x5;
	vm0 =	vmor vm15, vm0  }
0xef: {  	s0 =	sand.u32 $0x3FFFFFE0, s31;
	v6 =	vsel vm0, v9, v7  }
0xf0: {  	[tilespmem:s0+$0xC300] =	vst v6  }
0xf1: {  	[tilespmem:s0+$0xC310] =	vst v6  }
0xf2: {  	s22 =	sadd.s32 $0xC300, s0;
	v6 =	vmov s20;
	s20 =	simm.s32 $0x0  }
.LBB2_12:
0xf3: {  	s0 =	sshll.u32 s20, $0x4  }
0xf4: {  	v8 =	vld [tilespmem:s0+$0xD300];
	_ =	sdelay $0x2  }
0xf5: {  	v7 =	vor.u32 s0, v0  }
0xf6: {  	vm0 =	vlt.s32 v7, v6;
	v7 =	vld [tilespmem:s0+$0x11380]  }
0xf7: {  	s23 =	simm.s32 $0x0;
	v9 =	vnsel vm0, $0x7F800000, v8;
	v8 =	vimm.s32 $0x0  }
.LBB2_13:
0xf8: {  	s0 =	sshll.u32 s23, $0x4  }
0xf9: {  	v11 =	vld [tilespmem:s0+$0xD300]  }
0xfa: {  	v10 =	vld [tilespmem:s0+$0x11380];
	_ =	sdelay $0x1  }
0xfb: {  	v12 =	vor.u32 s0, v0  }
0xfc: {  	s31 =	simm.s32 $0x0;
	vm1 =	vlt.s32 v12, v6  }
0xfd: {  	v63 =	vmov s31;
	v11 =	vnsel vm1, $0x7F800000, v11  }
0xfe: {  	v12 =	vperm.xlane v10, v63;
	v13 =	vperm.xlane v11, v63;
	_ =	sdelay $0x1  }
0xff: {  	vm2 =	vlt.s32 v12, v7;
	vm1 =	veq.f32 v13, v9  }
0x100: {  	vm3 =	vlt.f32 v13, v9;
	vm1 =	vmand vm1, vm2  }
0x101: {  	s24 =	simm.s32 $0x1;
	vm1 =	vmor vm3, vm1  }
.LBB2_14:
0x102: {  	v12 =	vmov s24;
	p0 =	sne.s32 s24, $0xF;
	s24 =	sadd.s32 $0x1, s24;
	v13 =	vsel vm1, $0x1, v5  }
.Ltmp11:
0x103: {  	v14 =	vperm.xlane v11, v12;
	v12 =	vperm.xlane v10, v12;
	v8 =	vadd.s32 v13, v8;
	(pc) =	sbr.rel @p0 .LBB2_14-.Ltmp11, $4  }
0x104: {  	_ = 	snop  }
0x105: {  	vm1 =	veq.f32 v14, v9;
	vm2 =	vlt.s32 v12, v7  }
0x106: {  	vm3 =	vlt.f32 v14, v9;
	vm1 =	vmand vm1, vm2  }
0x107: {  	vm1 =	vmor vm3, vm1  }
0x108: {  	s23 =	sadd.s32 $0x1, s23  }
0x109: {  	p0 =	sne.s32 s23, s21  }
.Ltmp12:
0x10a: {  	_ = 	snop;
	(pc) =	sbr.rel @p0 .LBB2_13-.Ltmp12, $3  }
0x10b: {  	_ =	sdelay $0x1  }
0x10c: {  	v10 =	vsel vm1, $0x1, v5  }
0x10d: {  	v8 =	vadd.s32 v10, v8  }
0x10e: {  	vm1 =	vlt.s32 v8, $0x20  }
0x10f: {  	vm15 =	vlt.s32 v8, $0x1F;
	s20 =	sadd.s32 $0x1, s20;
	vm0 =	vmand vm0, vm1  }
0x110: {  	v8 =	vnsel vm15, $0x1F, v8;
	p0 =	sne.s32 s20, s21  }
.Ltmp13:
0x111: {  	_ = 	snop;
	(pc) =	sbr.rel @p0 .LBB2_12-.Ltmp13, $4  }
.Ltmp14:
0x112: {  	_ = 	snop;
	(pc) =	sbr.rel @!p0 .LBB2_17-.Ltmp14, $4  }
0x113: {  	_ = 	snop  }
0x114: {  	_ = 	snop  }
0x115: {  	[tilespmem:v8+s22+$0x0] =	vst.idx.msk vm0, v7  }
0x116: {  	_ = 	snop  }
.LBB2_19:
0x117: {  	_ =	sfence.sel $0x180000  }
0x118: {  	[bflag:$0x0] =	sbarrier.arrive $0xFFFF  }
0x119: {  	_ =	strace $0x90000047  }
0x11a: {  	s0 =	stileid.u32;
	[bflag:$0x2] =	sbarrier.arrive $0xFFFF  }
0x11b: {  	p0 =	sne.s32 s0, $0x0;
	s0 =	rddreg [dreg:$0x2]  }
0x11c: {  	s0 =	sadd.s32 @!p0 $0x100000, s0  }
0x11d: {  	[sflag:s0] =	ssyncadd.tile.s32 @!p0 $0x1;
	_ =	shalt  }
.Lfunc_end2:
_tile_overlayer_lowered:
.L_overlay_start_2:
0x11e: {  	(tag) =	ssettag $0x2  }
0x11f: {  	s0 =	rddreg [dreg:$0x0];
	s2 =	stileid.u32  }
0x120: {  	s1 =	rddreg [dreg:$0x1];
	p0 =	sne.s32 s2, $0x0  }
0x121: {  	s3 =	rddreg [dreg:$0x2];
	[bflag:$0x3] =	sbarrier.arrive $0xFFFF;
	s2 =	simm.s32 @!p0 $0x1C01  }
0x122: {  	[timem:s3], [sflag:s2] =	dma.local @!p0 [hbm:s0], s1  }
0x123: {  	s0 =	simm.s32 @!p0 $0x1  }
0x124: {  	_ =	swait.ge @!p0 [sflag:s0], s1  }
0x125: {  	s1 =	ssub.s32 @!p0 $0x0, s1;
	[sflag:s0] =	ssyncset.done @!p0 $0x0  }
0x126: {  	[sflag:s0] =	ssyncadd.s32 @!p0 s1  }
0x127: {  	[bflag:$0x3] =	sbarrier.arrive $0xFFFF  }
0x128: {  	_ =	shalt  }

</sc_bundles>
